<compile_context>
chip_gen: v7x
topology: tpu7x:2x2x1
jax: 0.10.2.dev20260603
libtpu: 0.0.44.dev20260713+nightly
codegen_flags: <defaults>
</compile_context>

<pallas_src>
import functools

import jax
import jax.numpy as jnp
from jax import lax
from jax.experimental import pallas as pl
from jax.experimental.pallas import tpu as pltpu
from jax.experimental.pallas import tpu_sc as plsc

_B, _F, _T = 262144, 32, 64
_NC, _NS = 2, 16
_NW = _NC * _NS
_RW = _B // _NW
_CH = 128
_NCH = _RW // _CH
_U = 8
_D = 3


def _sc_body(p_hbm, d_hbm, o_hbm, d_v,
             in0, in1, in2, out0, out1, out2,
             sin0, sin1, sin2, sout0, sout1, sout2):
    ins = (in0, in1, in2)
    outs = (out0, out1, out2)
    sins = (sin0, sin1, sin2)
    souts = (sout0, sout1, sout2)

    wid = lax.axis_index("s") * _NC + lax.axis_index("c")
    base = wid * _RW
    pltpu.sync_copy(d_hbm, d_v)
    ta = d_v[pl.ds(_F, 16)]
    tb = d_v[pl.ds(_F + 16, 16)]

    def fill(r, carry):
        for u in range(_U):
            for ov in outs:
                ov[r * _U + u, pl.ds(_F, 16)] = ta
                ov[r * _U + u, pl.ds(_F + 16, 16)] = tb
        return carry

    lax.fori_loop(0, _CH // _U, fill, 0)

    def start_in(i, buf, sem):
        pltpu.make_async_copy(
            p_hbm.at[pl.ds(base + i * _CH, _CH)], buf, sem).start()

    def wait_in(buf, sem):
        pltpu.make_async_copy(
            p_hbm.at[pl.ds(base, _CH)], buf, sem).wait()

    def start_out(i, buf, sem):
        pltpu.make_async_copy(
            buf, o_hbm.at[pl.ds(base + i * _CH, _CH)], sem).start()

    def wait_out(buf, sem):
        pltpu.make_async_copy(
            buf, o_hbm.at[pl.ds(base, _CH)], sem).wait()

    def interleave(src, dst):
        def body(r, c):
            for u in range(_U):
                dst[r * _U + u, pl.ds(0, 16)] = src[r * _U + u, pl.ds(0, 16)]
                dst[r * _U + u, pl.ds(16, 16)] = src[r * _U + u, pl.ds(16, 16)]
            return c
        lax.fori_loop(0, _CH // _U, body, 0)

    for p in range(_D):
        start_in(p, ins[p], sins[p])

    def step(j, carry):
        for p in range(_D):
            i = _D * j + p

            @pl.when(j > 0)
            def _():
                wait_out(outs[p], souts[p])
            wait_in(ins[p], sins[p])
            interleave(ins[p], outs[p])
            start_out(i, outs[p], souts[p])

            @pl.when(i + _D < _NCH)
            def _():
                start_in(i + _D, ins[p], sins[p])
        return carry

    nmain = _NCH // _D
    lax.fori_loop(0, nmain, step, 0)

    for i in range(nmain * _D, _NCH):
        p = i % _D
        wait_out(outs[p], souts[p])
        wait_in(ins[p], sins[p])
        interleave(ins[p], outs[p])
        start_out(i, outs[p], souts[p])

    for i in range(_NCH - _D, _NCH):
        p = i % _D
        wait_out(outs[p], souts[p])


@jax.jit
def kernel(params, params_default):
    mesh = plsc.VectorSubcoreMesh(core_axis_name="c", subcore_axis_name="s")
    f = functools.partial(
        pl.kernel,
        mesh=mesh,
        out_type=jax.ShapeDtypeStruct((_B, _T), jnp.float32),
        scratch_types=[
            pltpu.VMEM((_T,), jnp.float32),
            pltpu.VMEM((_CH, _F), jnp.float32),
            pltpu.VMEM((_CH, _F), jnp.float32),
            pltpu.VMEM((_CH, _F), jnp.float32),
            pltpu.VMEM((_CH, _T), jnp.float32),
            pltpu.VMEM((_CH, _T), jnp.float32),
            pltpu.VMEM((_CH, _T), jnp.float32),
            pltpu.SemaphoreType.DMA,
            pltpu.SemaphoreType.DMA,
            pltpu.SemaphoreType.DMA,
            pltpu.SemaphoreType.DMA,
            pltpu.SemaphoreType.DMA,
            pltpu.SemaphoreType.DMA,
        ],
    )(_sc_body)
    return f(params, params_default)

# --- scband reference (transcript-rebuilt; emitter-appended) ---
"""Pipeline reference for scband-parameter-set-9629316678221 (READ-ONLY COPY).

The authoritative reference and input builder live on the scoring server;
editing this copy changes nothing except your own understanding.
"""

import jax, jax.numpy as jnp
import numpy as np

TOTAL_PARAMS = 64
FREE_INDS = jnp.arange(32)  # free_inds from init_kwargs (list of int indices)


def setup_inputs(seed: int = 0) -> dict:
    key = jax.random.key(seed)
    k1, k2 = jax.random.split(key)
    params = jax.random.normal(k1, (262144, 32), dtype=jnp.float32)
    # register_buffer('params_default', ...): fixed default full-parameter vector
    params_default = jnp.zeros((TOTAL_PARAMS,), dtype=jnp.float32)
    return {"params": params, "params_default": params_default}


def reference(params, params_default):
    # set_fixed_params: tile the default vector across the batch, then
    # scatter-overwrite the free-index columns with the input params.
    B = params.shape[0]
    params_out = jnp.tile(params_default, (B, 1))
    params_out = params_out.at[:, FREE_INDS].set(params)
    # derive_full_params is identity
    return params_out

if __name__ == "__main__":
    import jax
    _d = setup_inputs()
    print(jax.jit(kernel)(*tuple(_d.values())))

</pallas_src>

<mosaic_0001>
#map = affine_map<(d0, d1) -> (0, 0)>
#map1 = affine_map<(d0, d1) -> (0)>
module attributes {stable_mosaic.version = 14 : i64} {
  func.func @_sc_body(%arg0: i32, %arg1: i32, %arg2: memref<262144x32xf32, #tpu.memory_space<hbm>>, %arg3: memref<64xf32, #tpu.memory_space<hbm>>, %arg4: memref<262144x64xf32, #tpu.memory_space<hbm>>, %arg5: memref<64xf32, #tpu.memory_space<vmem>>, %arg6: memref<128x32xf32, #tpu.memory_space<vmem>>, %arg7: memref<128x32xf32, #tpu.memory_space<vmem>>, %arg8: memref<128x32xf32, #tpu.memory_space<vmem>>, %arg9: memref<128x64xf32, #tpu.memory_space<vmem>>, %arg10: memref<128x64xf32, #tpu.memory_space<vmem>>, %arg11: memref<128x64xf32, #tpu.memory_space<vmem>>, %arg12: memref<!tpu.dma_semaphore, #tpu.memory_space<semaphore_mem>>, %arg13: memref<!tpu.dma_semaphore, #tpu.memory_space<semaphore_mem>>, %arg14: memref<!tpu.dma_semaphore, #tpu.memory_space<semaphore_mem>>, %arg15: memref<!tpu.dma_semaphore, #tpu.memory_space<semaphore_mem>>, %arg16: memref<!tpu.dma_semaphore, #tpu.memory_space<semaphore_mem>>, %arg17: memref<!tpu.dma_semaphore, #tpu.memory_space<semaphore_mem>>) attributes {dimension_semantics = [#tpu.dimension_semantics<core_parallel>, #tpu.dimension_semantics<subcore_parallel>], iteration_bounds = array<i64: 2, 16>, scalar_prefetch = 0 : i64, scratch_operands = 13 : i64, tpu.core_type = #tpu.core_type<sc_vector_subcore>, window_params = [{transform_indices = #map}, {transform_indices = #map1}, {transform_indices = #map}]} {
    %mul3A = arith.constant 2 : i32
    %mul3A_0 = arith.muli %arg1, %mul3A : i32
    %add3A = arith.addi %mul3A_0, %arg0 : i32
    %mul3A_1 = arith.constant 8192 : i32
    %mul3A_2 = arith.muli %add3A, %mul3A_1 : i32
    "tpu.region"() ({
      %run_scoped3A = tpu.sem_alloc : memref<!tpu.dma_semaphore, #tpu.memory_space<semaphore_mem>>
      tpu.enqueue_dma source(%arg3 : memref<64xf32, #tpu.memory_space<hbm>>) target(%arg5 : memref<64xf32, #tpu.memory_space<vmem>>) target_semaphore(%run_scoped3A : memref<!tpu.dma_semaphore, #tpu.memory_space<semaphore_mem>>)
      tpu.wait_dma2 semaphore(%run_scoped3A : memref<!tpu.dma_semaphore, #tpu.memory_space<semaphore_mem>>) src(%arg3 : memref<64xf32, #tpu.memory_space<hbm>>) dst(%arg5 : memref<64xf32, #tpu.memory_space<vmem>>)
      tpu.yield
    }) : () -> ()
    %get3A = arith.constant 32 : index
    %get3A_3 = tpu.vector_load %arg5[%get3A] {strides = array<i32>} : memref<64xf32, #tpu.memory_space<vmem>>, vector<16xf32>,
    %get3A_4 = vector.shape_cast %get3A_3 : vector<16xf32> to vector<16xf32>
    %get3A_5 = arith.constant 48 : index
    %get3A_6 = tpu.vector_load %arg5[%get3A_5] {strides = array<i32>} : memref<64xf32, #tpu.memory_space<vmem>>, vector<16xf32>,
    %get3A_7 = vector.shape_cast %get3A_6 : vector<16xf32> to vector<16xf32>
    %scan3A = arith.constant 0 : i32
    %scan3A_8 = arith.constant 0 : i32
    %scan3A_9 = arith.constant 16 : i32
    %scan3A_10 = arith.addi %scan3A_8, %scan3A_9 : i32
    %scan3A_11 = arith.constant 1 : i32
    scf.for %scan3A_67 = %scan3A_8 to %scan3A_10 step %scan3A_11  : i32 {
      %mul3A_68 = arith.constant 8 : i32
      %mul3A_69 = arith.muli %scan3A_67, %mul3A_68 : i32
      %add3A_70 = arith.constant 0 : i32
      %add3A_71 = arith.addi %mul3A_69, %add3A_70 : i32
      %swap3A = arith.index_cast %add3A_71 : i32 to index
      %swap3A_72 = arith.constant 32 : index
      %swap3A_73 = tpu.vector_load %arg9[%swap3A, %swap3A_72] {strides = array<i32>} : memref<128x64xf32, #tpu.memory_space<vmem>>, vector<1x16xf32>,
      %swap3A_74 = vector.shape_cast %swap3A_73 : vector<1x16xf32> to vector<16xf32>
      %swap3A_75 = vector.shape_cast %get3A_4 : vector<16xf32> to vector<1x16xf32>
      tpu.vector_store %arg9[%swap3A, %swap3A_72], %swap3A_75 {strides = array<i32>} : memref<128x64xf32, #tpu.memory_space<vmem>>, vector<1x16xf32>,
      %mul3A_76 = arith.constant 8 : i32
      %mul3A_77 = arith.muli %scan3A_67, %mul3A_76 : i32
      %add3A_78 = arith.constant 0 : i32
      %add3A_79 = arith.addi %mul3A_77, %add3A_78 : i32
      %swap3A_80 = arith.index_cast %add3A_79 : i32 to index
      %swap3A_81 = arith.constant 48 : index
      %swap3A_82 = tpu.vector_load %arg9[%swap3A_80, %swap3A_81] {strides = array<i32>} : memref<128x64xf32, #tpu.memory_space<vmem>>, vector<1x16xf32>,
      %swap3A_83 = vector.shape_cast %swap3A_82 : vector<1x16xf32> to vector<16xf32>
      %swap3A_84 = vector.shape_cast %get3A_7 : vector<16xf32> to vector<1x16xf32>
      tpu.vector_store %arg9[%swap3A_80, %swap3A_81], %swap3A_84 {strides = array<i32>} : memref<128x64xf32, #tpu.memory_space<vmem>>, vector<1x16xf32>,
      %mul3A_85 = arith.constant 8 : i32
      %mul3A_86 = arith.muli %scan3A_67, %mul3A_85 : i32
      %add3A_87 = arith.constant 0 : i32
      %add3A_88 = arith.addi %mul3A_86, %add3A_87 : i32
      %swap3A_89 = arith.index_cast %add3A_88 : i32 to index
      %swap3A_90 = arith.constant 32 : index
      %swap3A_91 = tpu.vector_load %arg10[%swap3A_89, %swap3A_90] {strides = array<i32>} : memref<128x64xf32, #tpu.memory_space<vmem>>, vector<1x16xf32>,
      %swap3A_92 = vector.shape_cast %swap3A_91 : vector<1x16xf32> to vector<16xf32>
      %swap3A_93 = vector.shape_cast %get3A_4 : vector<16xf32> to vector<1x16xf32>
      tpu.vector_store %arg10[%swap3A_89, %swap3A_90], %swap3A_93 {strides = array<i32>} : memref<128x64xf32, #tpu.memory_space<vmem>>, vector<1x16xf32>,
      %mul3A_94 = arith.constant 8 : i32
      %mul3A_95 = arith.muli %scan3A_67, %mul3A_94 : i32
      %add3A_96 = arith.constant 0 : i32
      %add3A_97 = arith.addi %mul3A_95, %add3A_96 : i32
      %swap3A_98 = arith.index_cast %add3A_97 : i32 to index
      %swap3A_99 = arith.constant 48 : index
      %swap3A_100 = tpu.vector_load %arg10[%swap3A_98, %swap3A_99] {strides = array<i32>} : memref<128x64xf32, #tpu.memory_space<vmem>>, vector<1x16xf32>,
      %swap3A_101 = vector.shape_cast %swap3A_100 : vector<1x16xf32> to vector<16xf32>
      %swap3A_102 = vector.shape_cast %get3A_7 : vector<16xf32> to vector<1x16xf32>
      tpu.vector_store %arg10[%swap3A_98, %swap3A_99], %swap3A_102 {strides = array<i32>} : memref<128x64xf32, #tpu.memory_space<vmem>>, vector<1x16xf32>,
      %mul3A_103 = arith.constant 8 : i32
      %mul3A_104 = arith.muli %scan3A_67, %mul3A_103 : i32
      %add3A_105 = arith.constant 0 : i32
      %add3A_106 = arith.addi %mul3A_104, %add3A_105 : i32
      %swap3A_107 = arith.index_cast %add3A_106 : i32 to index
      %swap3A_108 = arith.constant 32 : index
      %swap3A_109 = tpu.vector_load %arg11[%swap3A_107, %swap3A_108] {strides = array<i32>} : memref<128x64xf32, #tpu.memory_space<vmem>>, vector<1x16xf32>,
      %swap3A_110 = vector.shape_cast %swap3A_109 : vector<1x16xf32> to vector<16xf32>
      %swap3A_111 = vector.shape_cast %get3A_4 : vector<16xf32> to vector<1x16xf32>
      tpu.vector_store %arg11[%swap3A_107, %swap3A_108], %swap3A_111 {strides = array<i32>} : memref<128x64xf32, #tpu.memory_space<vmem>>, vector<1x16xf32>,
      %mul3A_112 = arith.constant 8 : i32
      %mul3A_113 = arith.muli %scan3A_67, %mul3A_112 : i32
      %add3A_114 = arith.constant 0 : i32
      %add3A_115 = arith.addi %mul3A_113, %add3A_114 : i32
      %swap3A_116 = arith.index_cast %add3A_115 : i32 to index
      %swap3A_117 = arith.constant 48 : index
      %swap3A_118 = tpu.vector_load %arg11[%swap3A_116, %swap3A_117] {strides = array<i32>} : memref<128x64xf32, #tpu.memory_space<vmem>>, vector<1x16xf32>,
      %swap3A_119 = vector.shape_cast %swap3A_118 : vector<1x16xf32> to vector<16xf32>
      %swap3A_120 = vector.shape_cast %get3A_7 : vector<16xf32> to vector<1x16xf32>
      tpu.vector_store %arg11[%swap3A_116, %swap3A_117], %swap3A_120 {strides = array<i32>} : memref<128x64xf32, #tpu.memory_space<vmem>>, vector<1x16xf32>,
      %mul3A_121 = arith.constant 8 : i32
      %mul3A_122 = arith.muli %scan3A_67, %mul3A_121 : i32
      %add3A_123 = arith.constant 1 : i32
      %add3A_124 = arith.addi %mul3A_122, %add3A_123 : i32
      %swap3A_125 = arith.index_cast %add3A_124 : i32 to index
      %swap3A_126 = arith.constant 32 : index
      %swap3A_127 = tpu.vector_load %arg9[%swap3A_125, %swap3A_126] {strides = array<i32>} : memref<128x64xf32, #tpu.memory_space<vmem>>, vector<1x16xf32>,
      %swap3A_128 = vector.shape_cast %swap3A_127 : vector<1x16xf32> to vector<16xf32>
      %swap3A_129 = vector.shape_cast %get3A_4 : vector<16xf32> to vector<1x16xf32>
      tpu.vector_store %arg9[%swap3A_125, %swap3A_126], %swap3A_129 {strides = array<i32>} : memref<128x64xf32, #tpu.memory_space<vmem>>, vector<1x16xf32>,
      %mul3A_130 = arith.constant 8 : i32
      %mul3A_131 = arith.muli %scan3A_67, %mul3A_130 : i32
      %add3A_132 = arith.constant 1 : i32
      %add3A_133 = arith.addi %mul3A_131, %add3A_132 : i32
      %swap3A_134 = arith.index_cast %add3A_133 : i32 to index
      %swap3A_135 = arith.constant 48 : index
      %swap3A_136 = tpu.vector_load %arg9[%swap3A_134, %swap3A_135] {strides = array<i32>} : memref<128x64xf32, #tpu.memory_space<vmem>>, vector<1x16xf32>,
      %swap3A_137 = vector.shape_cast %swap3A_136 : vector<1x16xf32> to vector<16xf32>
      %swap3A_138 = vector.shape_cast %get3A_7 : vector<16xf32> to vector<1x16xf32>
      tpu.vector_store %arg9[%swap3A_134, %swap3A_135], %swap3A_138 {strides = array<i32>} : memref<128x64xf32, #tpu.memory_space<vmem>>, vector<1x16xf32>,
      %mul3A_139 = arith.constant 8 : i32
      %mul3A_140 = arith.muli %scan3A_67, %mul3A_139 : i32
      %add3A_141 = arith.constant 1 : i32
      %add3A_142 = arith.addi %mul3A_140, %add3A_141 : i32
      %swap3A_143 = arith.index_cast %add3A_142 : i32 to index
      %swap3A_144 = arith.constant 32 : index
      %swap3A_145 = tpu.vector_load %arg10[%swap3A_143, %swap3A_144] {strides = array<i32>} : memref<128x64xf32, #tpu.memory_space<vmem>>, vector<1x16xf32>,
      %swap3A_146 = vector.shape_cast %swap3A_145 : vector<1x16xf32> to vector<16xf32>
      %swap3A_147 = vector.shape_cast %get3A_4 : vector<16xf32> to vector<1x16xf32>
      tpu.vector_store %arg10[%swap3A_143, %swap3A_144], %swap3A_147 {strides = array<i32>} : memref<128x64xf32, #tpu.memory_space<vmem>>, vector<1x16xf32>,
      %mul3A_148 = arith.constant 8 : i32
      %mul3A_149 = arith.muli %scan3A_67, %mul3A_148 : i32
      %add3A_150 = arith.constant 1 : i32
      %add3A_151 = arith.addi %mul3A_149, %add3A_150 : i32
      %swap3A_152 = arith.index_cast %add3A_151 : i32 to index
      %swap3A_153 = arith.constant 48 : index
      %swap3A_154 = tpu.vector_load %arg10[%swap3A_152, %swap3A_153] {strides = array<i32>} : memref<128x64xf32, #tpu.memory_space<vmem>>, vector<1x16xf32>,
      %swap3A_155 = vector.shape_cast %swap3A_154 : vector<1x16xf32> to vector<16xf32>
      %swap3A_156 = vector.shape_cast %get3A_7 : vector<16xf32> to vector<1x16xf32>
      tpu.vector_store %arg10[%swap3A_152, %swap3A_153], %swap3A_156 {strides = array<i32>} : memref<128x64xf32, #tpu.memory_space<vmem>>, vector<1x16xf32>,
      %mul3A_157 = arith.constant 8 : i32
      %mul3A_158 = arith.muli %scan3A_67, %mul3A_157 : i32
      %add3A_159 = arith.constant 1 : i32
      %add3A_160 = arith.addi %mul3A_158, %add3A_159 : i32
      %swap3A_161 = arith.index_cast %add3A_160 : i32 to index
      %swap3A_162 = arith.constant 32 : index
      %swap3A_163 = tpu.vector_load %arg11[%swap3A_161, %swap3A_162] {strides = array<i32>} : memref<128x64xf32, #tpu.memory_space<vmem>>, vector<1x16xf32>,
      %swap3A_164 = vector.shape_cast %swap3A_163 : vector<1x16xf32> to vector<16xf32>
      %swap3A_165 = vector.shape_cast %get3A_4 : vector<16xf32> to vector<1x16xf32>
      tpu.vector_store %arg11[%swap3A_161, %swap3A_162], %swap3A_165 {strides = array<i32>} : memref<128x64xf32, #tpu.memory_space<vmem>>, vector<1x16xf32>,
      %mul3A_166 = arith.constant 8 : i32
      %mul3A_167 = arith.muli %scan3A_67, %mul3A_166 : i32
      %add3A_168 = arith.constant 1 : i32
      %add3A_169 = arith.addi %mul3A_167, %add3A_168 : i32
      %swap3A_170 = arith.index_cast %add3A_169 : i32 to index
      %swap3A_171 = arith.constant 48 : index
      %swap3A_172 = tpu.vector_load %arg11[%swap3A_170, %swap3A_171] {strides = array<i32>} : memref<128x64xf32, #tpu.memory_space<vmem>>, vector<1x16xf32>,
      %swap3A_173 = vector.shape_cast %swap3A_172 : vector<1x16xf32> to vector<16xf32>
      %swap3A_174 = vector.shape_cast %get3A_7 : vector<16xf32> to vector<1x16xf32>
      tpu.vector_store %arg11[%swap3A_170, %swap3A_171], %swap3A_174 {strides = array<i32>} : memref<128x64xf32, #tpu.memory_space<vmem>>, vector<1x16xf32>,
      %mul3A_175 = arith.constant 8 : i32
      %mul3A_176 = arith.muli %scan3A_67, %mul3A_175 : i32
      %add3A_177 = arith.constant 2 : i32
      %add3A_178 = arith.addi %mul3A_176, %add3A_177 : i32
      %swap3A_179 = arith.index_cast %add3A_178 : i32 to index
      %swap3A_180 = arith.constant 32 : index
      %swap3A_181 = tpu.vector_load %arg9[%swap3A_179, %swap3A_180] {strides = array<i32>} : memref<128x64xf32, #tpu.memory_space<vmem>>, vector<1x16xf32>,
      %swap3A_182 = vector.shape_cast %swap3A_181 : vector<1x16xf32> to vector<16xf32>
      %swap3A_183 = vector.shape_cast %get3A_4 : vector<16xf32> to vector<1x16xf32>
      tpu.vector_store %arg9[%swap3A_179, %swap3A_180], %swap3A_183 {strides = array<i32>} : memref<128x64xf32, #tpu.memory_space<vmem>>, vector<1x16xf32>,
      %mul3A_184 = arith.constant 8 : i32
      %mul3A_185 = arith.muli %scan3A_67, %mul3A_184 : i32
      %add3A_186 = arith.constant 2 : i32
      %add3A_187 = arith.addi %mul3A_185, %add3A_186 : i32
      %swap3A_188 = arith.index_cast %add3A_187 : i32 to index
      %swap3A_189 = arith.constant 48 : index
      %swap3A_190 = tpu.vector_load %arg9[%swap3A_188, %swap3A_189] {strides = array<i32>} : memref<128x64xf32, #tpu.memory_space<vmem>>, vector<1x16xf32>,
      %swap3A_191 = vector.shape_cast %swap3A_190 : vector<1x16xf32> to vector<16xf32>
      %swap3A_192 = vector.shape_cast %get3A_7 : vector<16xf32> to vector<1x16xf32>
      tpu.vector_store %arg9[%swap3A_188, %swap3A_189], %swap3A_192 {strides = array<i32>} : memref<128x64xf32, #tpu.memory_space<vmem>>, vector<1x16xf32>,
      %mul3A_193 = arith.constant 8 : i32
      %mul3A_194 = arith.muli %scan3A_67, %mul3A_193 : i32
      %add3A_195 = arith.constant 2 : i32
      %add3A_196 = arith.addi %mul3A_194, %add3A_195 : i32
      %swap3A_197 = arith.index_cast %add3A_196 : i32 to index
      %swap3A_198 = arith.constant 32 : index
      %swap3A_199 = tpu.vector_load %arg10[%swap3A_197, %swap3A_198] {strides = array<i32>} : memref<128x64xf32, #tpu.memory_space<vmem>>, vector<1x16xf32>,
      %swap3A_200 = vector.shape_cast %swap3A_199 : vector<1x16xf32> to vector<16xf32>
      %swap3A_201 = vector.shape_cast %get3A_4 : vector<16xf32> to vector<1x16xf32>
      tpu.vector_store %arg10[%swap3A_197, %swap3A_198], %swap3A_201 {strides = array<i32>} : memref<128x64xf32, #tpu.memory_space<vmem>>, vector<1x16xf32>,
      %mul3A_202 = arith.constant 8 : i32
      %mul3A_203 = arith.muli %scan3A_67, %mul3A_202 : i32
      %add3A_204 = arith.constant 2 : i32
      %add3A_205 = arith.addi %mul3A_203, %add3A_204 : i32
      %swap3A_206 = arith.index_cast %add3A_205 : i32 to index
      %swap3A_207 = arith.constant 48 : index
      %swap3A_208 = tpu.vector_load %arg10[%swap3A_206, %swap3A_207] {strides = array<i32>} : memref<128x64xf32, #tpu.memory_space<vmem>>, vector<1x16xf32>,
      %swap3A_209 = vector.shape_cast %swap3A_208 : vector<1x16xf32> to vector<16xf32>
      %swap3A_210 = vector.shape_cast %get3A_7 : vector<16xf32> to vector<1x16xf32>
      tpu.vector_store %arg10[%swap3A_206, %swap3A_207], %swap3A_210 {strides = array<i32>} : memref<128x64xf32, #tpu.memory_space<vmem>>, vector<1x16xf32>,
      %mul3A_211 = arith.constant 8 : i32
      %mul3A_212 = arith.muli %scan3A_67, %mul3A_211 : i32
      %add3A_213 = arith.constant 2 : i32
      %add3A_214 = arith.addi %mul3A_212, %add3A_213 : i32
      %swap3A_215 = arith.index_cast %add3A_214 : i32 to index
      %swap3A_216 = arith.constant 32 : index
      %swap3A_217 = tpu.vector_load %arg11[%swap3A_215, %swap3A_216] {strides = array<i32>} : memref<128x64xf32, #tpu.memory_space<vmem>>, vector<1x16xf32>,
      %swap3A_218 = vector.shape_cast %swap3A_217 : vector<1x16xf32> to vector<16xf32>
      %swap3A_219 = vector.shape_cast %get3A_4 : vector<16xf32> to vector<1x16xf32>
      tpu.vector_store %arg11[%swap3A_215, %swap3A_216], %swap3A_219 {strides = array<i32>} : memref<128x64xf32, #tpu.memory_space<vmem>>, vector<1x16xf32>,
      %mul3A_220 = arith.constant 8 : i32
      %mul3A_221 = arith.muli %scan3A_67, %mul3A_220 : i32
      %add3A_222 = arith.constant 2 : i32
      %add3A_223 = arith.addi %mul3A_221, %add3A_222 : i32
      %swap3A_224 = arith.index_cast %add3A_223 : i32 to index
      %swap3A_225 = arith.constant 48 : index
      %swap3A_226 = tpu.vector_load %arg11[%swap3A_224, %swap3A_225] {strides = array<i32>} : memref<128x64xf32, #tpu.memory_space<vmem>>, vector<1x16xf32>,
      %swap3A_227 = vector.shape_cast %swap3A_226 : vector<1x16xf32> to vector<16xf32>
      %swap3A_228 = vector.shape_cast %get3A_7 : vector<16xf32> to vector<1x16xf32>
      tpu.vector_store %arg11[%swap3A_224, %swap3A_225], %swap3A_228 {strides = array<i32>} : memref<128x64xf32, #tpu.memory_space<vmem>>, vector<1x16xf32>,
      %mul3A_229 = arith.constant 8 : i32
      %mul3A_230 = arith.muli %scan3A_67, %mul3A_229 : i32
      %add3A_231 = arith.constant 3 : i32
      %add3A_232 = arith.addi %mul3A_230, %add3A_231 : i32
      %swap3A_233 = arith.index_cast %add3A_232 : i32 to index
      %swap3A_234 = arith.constant 32 : index
      %swap3A_235 = tpu.vector_load %arg9[%swap3A_233, %swap3A_234] {strides = array<i32>} : memref<128x64xf32, #tpu.memory_space<vmem>>, vector<1x16xf32>,
      %swap3A_236 = vector.shape_cast %swap3A_235 : vector<1x16xf32> to vector<16xf32>
      %swap3A_237 = vector.shape_cast %get3A_4 : vector<16xf32> to vector<1x16xf32>
      tpu.vector_store %arg9[%swap3A_233, %swap3A_234], %swap3A_237 {strides = array<i32>} : memref<128x64xf32, #tpu.memory_space<vmem>>, vector<1x16xf32>,
      %mul3A_238 = arith.constant 8 : i32
      %mul3A_239 = arith.muli %scan3A_67, %mul3A_238 : i32
      %add3A_240 = arith.constant 3 : i32
      %add3A_241 = arith.addi %mul3A_239, %add3A_240 : i32
      %swap3A_242 = arith.index_cast %add3A_241 : i32 to index
      %swap3A_243 = arith.constant 48 : index
      %swap3A_244 = tpu.vector_load %arg9[%swap3A_242, %swap3A_243] {strides = array<i32>} : memref<128x64xf32, #tpu.memory_space<vmem>>, vector<1x16xf32>,
      %swap3A_245 = vector.shape_cast %swap3A_244 : vector<1x16xf32> to vector<16xf32>
      %swap3A_246 = vector.shape_cast %get3A_7 : vector<16xf32> to vector<1x16xf32>
      tpu.vector_store %arg9[%swap3A_242, %swap3A_243], %swap3A_246 {strides = array<i32>} : memref<128x64xf32, #tpu.memory_space<vmem>>, vector<1x16xf32>,
      %mul3A_247 = arith.constant 8 : i32
      %mul3A_248 = arith.muli %scan3A_67, %mul3A_247 : i32
      %add3A_249 = arith.constant 3 : i32
      %add3A_250 = arith.addi %mul3A_248, %add3A_249 : i32
      %swap3A_251 = arith.index_cast %add3A_250 : i32 to index
      %swap3A_252 = arith.constant 32 : index
      %swap3A_253 = tpu.vector_load %arg10[%swap3A_251, %swap3A_252] {strides = array<i32>} : memref<128x64xf32, #tpu.memory_space<vmem>>, vector<1x16xf32>,
      %swap3A_254 = vector.shape_cast %swap3A_253 : vector<1x16xf32> to vector<16xf32>
      %swap3A_255 = vector.shape_cast %get3A_4 : vector<16xf32> to vector<1x16xf32>
      tpu.vector_store %arg10[%swap3A_251, %swap3A_252], %swap3A_255 {strides = array<i32>} : memref<128x64xf32, #tpu.memory_space<vmem>>, vector<1x16xf32>,
      %mul3A_256 = arith.constant 8 : i32
      %mul3A_257 = arith.muli %scan3A_67, %mul3A_256 : i32
      %add3A_258 = arith.constant 3 : i32
      %add3A_259 = arith.addi %mul3A_257, %add3A_258 : i32
      %swap3A_260 = arith.index_cast %add3A_259 : i32 to index
      %swap3A_261 = arith.constant 48 : index
      %swap3A_262 = tpu.vector_load %arg10[%swap3A_260, %swap3A_261] {strides = array<i32>} : memref<128x64xf32, #tpu.memory_space<vmem>>, vector<1x16xf32>,
      %swap3A_263 = vector.shape_cast %swap3A_262 : vector<1x16xf32> to vector<16xf32>
      %swap3A_264 = vector.shape_cast %get3A_7 : vector<16xf32> to vector<1x16xf32>
      tpu.vector_store %arg10[%swap3A_260, %swap3A_261], %swap3A_264 {strides = array<i32>} : memref<128x64xf32, #tpu.memory_space<vmem>>, vector<1x16xf32>,
      %mul3A_265 = arith.constant 8 : i32
      %mul3A_266 = arith.muli %scan3A_67, %mul3A_265 : i32
      %add3A_267 = arith.constant 3 : i32
      %add3A_268 = arith.addi %mul3A_266, %add3A_267 : i32
      %swap3A_269 = arith.index_cast %add3A_268 : i32 to index
      %swap3A_270 = arith.constant 32 : index
      %swap3A_271 = tpu.vector_load %arg11[%swap3A_269, %swap3A_270] {strides = array<i32>} : memref<128x64xf32, #tpu.memory_space<vmem>>, vector<1x16xf32>,
      %swap3A_272 = vector.shape_cast %swap3A_271 : vector<1x16xf32> to vector<16xf32>
      %swap3A_273 = vector.shape_cast %get3A_4 : vector<16xf32> to vector<1x16xf32>
      tpu.vector_store %arg11[%swap3A_269, %swap3A_270], %swap3A_273 {strides = array<i32>} : memref<128x64xf32, #tpu.memory_space<vmem>>, vector<1x16xf32>,
      %mul3A_274 = arith.constant 8 : i32
      %mul3A_275 = arith.muli %scan3A_67, %mul3A_274 : i32
      %add3A_276 = arith.constant 3 : i32
      %add3A_277 = arith.addi %mul3A_275, %add3A_276 : i32
      %swap3A_278 = arith.index_cast %add3A_277 : i32 to index
      %swap3A_279 = arith.constant 48 : index
      %swap3A_280 = tpu.vector_load %arg11[%swap3A_278, %swap3A_279] {strides = array<i32>} : memref<128x64xf32, #tpu.memory_space<vmem>>, vector<1x16xf32>,
      %swap3A_281 = vector.shape_cast %swap3A_280 : vector<1x16xf32> to vector<16xf32>
      %swap3A_282 = vector.shape_cast %get3A_7 : vector<16xf32> to vector<1x16xf32>
      tpu.vector_store %arg11[%swap3A_278, %swap3A_279], %swap3A_282 {strides = array<i32>} : memref<128x64xf32, #tpu.memory_space<vmem>>, vector<1x16xf32>,
      %mul3A_283 = arith.constant 8 : i32
      %mul3A_284 = arith.muli %scan3A_67, %mul3A_283 : i32
      %add3A_285 = arith.constant 4 : i32
      %add3A_286 = arith.addi %mul3A_284, %add3A_285 : i32
      %swap3A_287 = arith.index_cast %add3A_286 : i32 to index
      %swap3A_288 = arith.constant 32 : index
      %swap3A_289 = tpu.vector_load %arg9[%swap3A_287, %swap3A_288] {strides = array<i32>} : memref<128x64xf32, #tpu.memory_space<vmem>>, vector<1x16xf32>,
      %swap3A_290 = vector.shape_cast %swap3A_289 : vector<1x16xf32> to vector<16xf32>
      %swap3A_291 = vector.shape_cast %get3A_4 : vector<16xf32> to vector<1x16xf32>
      tpu.vector_store %arg9[%swap3A_287, %swap3A_288], %swap3A_291 {strides = array<i32>} : memref<128x64xf32, #tpu.memory_space<vmem>>, vector<1x16xf32>,
      %mul3A_292 = arith.constant 8 : i32
      %mul3A_293 = arith.muli %scan3A_67, %mul3A_292 : i32
      %add3A_294 = arith.constant 4 : i32
      %add3A_295 = arith.addi %mul3A_293, %add3A_294 : i32
      %swap3A_296 = arith.index_cast %add3A_295 : i32 to index
      %swap3A_297 = arith.constant 48 : index
      %swap3A_298 = tpu.vector_load %arg9[%swap3A_296, %swap3A_297] {strides = array<i32>} : memref<128x64xf32, #tpu.memory_space<vmem>>, vector<1x16xf32>,
      %swap3A_299 = vector.shape_cast %swap3A_298 : vector<1x16xf32> to vector<16xf32>
      %swap3A_300 = vector.shape_cast %get3A_7 : vector<16xf32> to vector<1x16xf32>
      tpu.vector_store %arg9[%swap3A_296, %swap3A_297], %swap3A_300 {strides = array<i32>} : memref<128x64xf32, #tpu.memory_space<vmem>>, vector<1x16xf32>,
      %mul3A_301 = arith.constant 8 : i32
      %mul3A_302 = arith.muli %scan3A_67, %mul3A_301 : i32
      %add3A_303 = arith.constant 4 : i32
      %add3A_304 = arith.addi %mul3A_302, %add3A_303 : i32
      %swap3A_305 = arith.index_cast %add3A_304 : i32 to index
      %swap3A_306 = arith.constant 32 : index
      %swap3A_307 = tpu.vector_load %arg10[%swap3A_305, %swap3A_306] {strides = array<i32>} : memref<128x64xf32, #tpu.memory_space<vmem>>, vector<1x16xf32>,
      %swap3A_308 = vector.shape_cast %swap3A_307 : vector<1x16xf32> to vector<16xf32>
      %swap3A_309 = vector.shape_cast %get3A_4 : vector<16xf32> to vector<1x16xf32>
      tpu.vector_store %arg10[%swap3A_305, %swap3A_306], %swap3A_309 {strides = array<i32>} : memref<128x64xf32, #tpu.memory_space<vmem>>, vector<1x16xf32>,
      %mul3A_310 = arith.constant 8 : i32
      %mul3A_311 = arith.muli %scan3A_67, %mul3A_310 : i32
      %add3A_312 = arith.constant 4 : i32
      %add3A_313 = arith.addi %mul3A_311, %add3A_312 : i32
      %swap3A_314 = arith.index_cast %add3A_313 : i32 to index
      %swap3A_315 = arith.constant 48 : index
      %swap3A_316 = tpu.vector_load %arg10[%swap3A_314, %swap3A_315] {strides = array<i32>} : memref<128x64xf32, #tpu.memory_space<vmem>>, vector<1x16xf32>,
      %swap3A_317 = vector.shape_cast %swap3A_316 : vector<1x16xf32> to vector<16xf32>
      %swap3A_318 = vector.shape_cast %get3A_7 : vector<16xf32> to vector<1x16xf32>
      tpu.vector_store %arg10[%swap3A_314, %swap3A_315], %swap3A_318 {strides = array<i32>} : memref<128x64xf32, #tpu.memory_space<vmem>>, vector<1x16xf32>,
      %mul3A_319 = arith.constant 8 : i32
      %mul3A_320 = arith.muli %scan3A_67, %mul3A_319 : i32
      %add3A_321 = arith.constant 4 : i32
      %add3A_322 = arith.addi %mul3A_320, %add3A_321 : i32
      %swap3A_323 = arith.index_cast %add3A_322 : i32 to index
      %swap3A_324 = arith.constant 32 : index
      %swap3A_325 = tpu.vector_load %arg11[%swap3A_323, %swap3A_324] {strides = array<i32>} : memref<128x64xf32, #tpu.memory_space<vmem>>, vector<1x16xf32>,
      %swap3A_326 = vector.shape_cast %swap3A_325 : vector<1x16xf32> to vector<16xf32>
      %swap3A_327 = vector.shape_cast %get3A_4 : vector<16xf32> to vector<1x16xf32>
      tpu.vector_store %arg11[%swap3A_323, %swap3A_324], %swap3A_327 {strides = array<i32>} : memref<128x64xf32, #tpu.memory_space<vmem>>, vector<1x16xf32>,
      %mul3A_328 = arith.constant 8 : i32
      %mul3A_329 = arith.muli %scan3A_67, %mul3A_328 : i32
      %add3A_330 = arith.constant 4 : i32
      %add3A_331 = arith.addi %mul3A_329, %add3A_330 : i32
      %swap3A_332 = arith.index_cast %add3A_331 : i32 to index
      %swap3A_333 = arith.constant 48 : index
      %swap3A_334 = tpu.vector_load %arg11[%swap3A_332, %swap3A_333] {strides = array<i32>} : memref<128x64xf32, #tpu.memory_space<vmem>>, vector<1x16xf32>,
      %swap3A_335 = vector.shape_cast %swap3A_334 : vector<1x16xf32> to vector<16xf32>
      %swap3A_336 = vector.shape_cast %get3A_7 : vector<16xf32> to vector<1x16xf32>
      tpu.vector_store %arg11[%swap3A_332, %swap3A_333], %swap3A_336 {strides = array<i32>} : memref<128x64xf32, #tpu.memory_space<vmem>>, vector<1x16xf32>,
      %mul3A_337 = arith.constant 8 : i32
      %mul3A_338 = arith.muli %scan3A_67, %mul3A_337 : i32
      %add3A_339 = arith.constant 5 : i32
      %add3A_340 = arith.addi %mul3A_338, %add3A_339 : i32
      %swap3A_341 = arith.index_cast %add3A_340 : i32 to index
      %swap3A_342 = arith.constant 32 : index
      %swap3A_343 = tpu.vector_load %arg9[%swap3A_341, %swap3A_342] {strides = array<i32>} : memref<128x64xf32, #tpu.memory_space<vmem>>, vector<1x16xf32>,
      %swap3A_344 = vector.shape_cast %swap3A_343 : vector<1x16xf32> to vector<16xf32>
      %swap3A_345 = vector.shape_cast %get3A_4 : vector<16xf32> to vector<1x16xf32>
      tpu.vector_store %arg9[%swap3A_341, %swap3A_342], %swap3A_345 {strides = array<i32>} : memref<128x64xf32, #tpu.memory_space<vmem>>, vector<1x16xf32>,
      %mul3A_346 = arith.constant 8 : i32
      %mul3A_347 = arith.muli %scan3A_67, %mul3A_346 : i32
      %add3A_348 = arith.constant 5 : i32
      %add3A_349 = arith.addi %mul3A_347, %add3A_348 : i32
      %swap3A_350 = arith.index_cast %add3A_349 : i32 to index
      %swap3A_351 = arith.constant 48 : index
      %swap3A_352 = tpu.vector_load %arg9[%swap3A_350, %swap3A_351] {strides = array<i32>} : memref<128x64xf32, #tpu.memory_space<vmem>>, vector<1x16xf32>,
      %swap3A_353 = vector.shape_cast %swap3A_352 : vector<1x16xf32> to vector<16xf32>
      %swap3A_354 = vector.shape_cast %get3A_7 : vector<16xf32> to vector<1x16xf32>
      tpu.vector_store %arg9[%swap3A_350, %swap3A_351], %swap3A_354 {strides = array<i32>} : memref<128x64xf32, #tpu.memory_space<vmem>>, vector<1x16xf32>,
      %mul3A_355 = arith.constant 8 : i32
      %mul3A_356 = arith.muli %scan3A_67, %mul3A_355 : i32
      %add3A_357 = arith.constant 5 : i32
      %add3A_358 = arith.addi %mul3A_356, %add3A_357 : i32
      %swap3A_359 = arith.index_cast %add3A_358 : i32 to index
      %swap3A_360 = arith.constant 32 : index
      %swap3A_361 = tpu.vector_load %arg10[%swap3A_359, %swap3A_360] {strides = array<i32>} : memref<128x64xf32, #tpu.memory_space<vmem>>, vector<1x16xf32>,
      %swap3A_362 = vector.shape_cast %swap3A_361 : vector<1x16xf32> to vector<16xf32>
      %swap3A_363 = vector.shape_cast %get3A_4 : vector<16xf32> to vector<1x16xf32>
      tpu.vector_store %arg10[%swap3A_359, %swap3A_360], %swap3A_363 {strides = array<i32>} : memref<128x64xf32, #tpu.memory_space<vmem>>, vector<1x16xf32>,
      %mul3A_364 = arith.constant 8 : i32
      %mul3A_365 = arith.muli %scan3A_67, %mul3A_364 : i32
      %add3A_366 = arith.constant 5 : i32
      %add3A_367 = arith.addi %mul3A_365, %add3A_366 : i32
      %swap3A_368 = arith.index_cast %add3A_367 : i32 to index
      %swap3A_369 = arith.constant 48 : index
      %swap3A_370 = tpu.vector_load %arg10[%swap3A_368, %swap3A_369] {strides = array<i32>} : memref<128x64xf32, #tpu.memory_space<vmem>>, vector<1x16xf32>,
      %swap3A_371 = vector.shape_cast %swap3A_370 : vector<1x16xf32> to vector<16xf32>
      %swap3A_372 = vector.shape_cast %get3A_7 : vector<16xf32> to vector<1x16xf32>
      tpu.vector_store %arg10[%swap3A_368, %swap3A_369], %swap3A_372 {strides = array<i32>} : memref<128x64xf32, #tpu.memory_space<vmem>>, vector<1x16xf32>,
      %mul3A_373 = arith.constant 8 : i32
      %mul3A_374 = arith.muli %scan3A_67, %mul3A_373 : i32
      %add3A_375 = arith.constant 5 : i32
      %add3A_376 = arith.addi %mul3A_374, %add3A_375 : i32
      %swap3A_377 = arith.index_cast %add3A_376 : i32 to index
      %swap3A_378 = arith.constant 32 : index
      %swap3A_379 = tpu.vector_load %arg11[%swap3A_377, %swap3A_378] {strides = array<i32>} : memref<128x64xf32, #tpu.memory_space<vmem>>, vector<1x16xf32>,
      %swap3A_380 = vector.shape_cast %swap3A_379 : vector<1x16xf32> to vector<16xf32>
      %swap3A_381 = vector.shape_cast %get3A_4 : vector<16xf32> to vector<1x16xf32>
      tpu.vector_store %arg11[%swap3A_377, %swap3A_378], %swap3A_381 {strides = array<i32>} : memref<128x64xf32, #tpu.memory_space<vmem>>, vector<1x16xf32>,
      %mul3A_382 = arith.constant 8 : i32
      %mul3A_383 = arith.muli %scan3A_67, %mul3A_382 : i32
      %add3A_384 = arith.constant 5 : i32
      %add3A_385 = arith.addi %mul3A_383, %add3A_384 : i32
      %swap3A_386 = arith.index_cast %add3A_385 : i32 to index
      %swap3A_387 = arith.constant 48 : index
      %swap3A_388 = tpu.vector_load %arg11[%swap3A_386, %swap3A_387] {strides = array<i32>} : memref<128x64xf32, #tpu.memory_space<vmem>>, vector<1x16xf32>,
      %swap3A_389 = vector.shape_cast %swap3A_388 : vector<1x16xf32> to vector<16xf32>
      %swap3A_390 = vector.shape_cast %get3A_7 : vector<16xf32> to vector<1x16xf32>
      tpu.vector_store %arg11[%swap3A_386, %swap3A_387], %swap3A_390 {strides = array<i32>} : memref<128x64xf32, #tpu.memory_space<vmem>>, vector<1x16xf32>,
      %mul3A_391 = arith.constant 8 : i32
      %mul3A_392 = arith.muli %scan3A_67, %mul3A_391 : i32
      %add3A_393 = arith.constant 6 : i32
      %add3A_394 = arith.addi %mul3A_392, %add3A_393 : i32
      %swap3A_395 = arith.index_cast %add3A_394 : i32 to index
      %swap3A_396 = arith.constant 32 : index
      %swap3A_397 = tpu.vector_load %arg9[%swap3A_395, %swap3A_396] {strides = array<i32>} : memref<128x64xf32, #tpu.memory_space<vmem>>, vector<1x16xf32>,
      %swap3A_398 = vector.shape_cast %swap3A_397 : vector<1x16xf32> to vector<16xf32>
      %swap3A_399 = vector.shape_cast %get3A_4 : vector<16xf32> to vector<1x16xf32>
      tpu.vector_store %arg9[%swap3A_395, %swap3A_396], %swap3A_399 {strides = array<i32>} : memref<128x64xf32, #tpu.memory_space<vmem>>, vector<1x16xf32>,
      %mul3A_400 = arith.constant 8 : i32
      %mul3A_401 = arith.muli %scan3A_67, %mul3A_400 : i32
      %add3A_402 = arith.constant 6 : i32
      %add3A_403 = arith.addi %mul3A_401, %add3A_402 : i32
      %swap3A_404 = arith.index_cast %add3A_403 : i32 to index
      %swap3A_405 = arith.constant 48 : index
      %swap3A_406 = tpu.vector_load %arg9[%swap3A_404, %swap3A_405] {strides = array<i32>} : memref<128x64xf32, #tpu.memory_space<vmem>>, vector<1x16xf32>,
      %swap3A_407 = vector.shape_cast %swap3A_406 : vector<1x16xf32> to vector<16xf32>
      %swap3A_408 = vector.shape_cast %get3A_7 : vector<16xf32> to vector<1x16xf32>
      tpu.vector_store %arg9[%swap3A_404, %swap3A_405], %swap3A_408 {strides = array<i32>} : memref<128x64xf32, #tpu.memory_space<vmem>>, vector<1x16xf32>,
      %mul3A_409 = arith.constant 8 : i32
      %mul3A_410 = arith.muli %scan3A_67, %mul3A_409 : i32
      %add3A_411 = arith.constant 6 : i32
      %add3A_412 = arith.addi %mul3A_410, %add3A_411 : i32
      %swap3A_413 = arith.index_cast %add3A_412 : i32 to index
      %swap3A_414 = arith.constant 32 : index
      %swap3A_415 = tpu.vector_load %arg10[%swap3A_413, %swap3A_414] {strides = array<i32>} : memref<128x64xf32, #tpu.memory_space<vmem>>, vector<1x16xf32>,
      %swap3A_416 = vector.shape_cast %swap3A_415 : vector<1x16xf32> to vector<16xf32>
      %swap3A_417 = vector.shape_cast %get3A_4 : vector<16xf32> to vector<1x16xf32>
      tpu.vector_store %arg10[%swap3A_413, %swap3A_414], %swap3A_417 {strides = array<i32>} : memref<128x64xf32, #tpu.memory_space<vmem>>, vector<1x16xf32>,
      %mul3A_418 = arith.constant 8 : i32
      %mul3A_419 = arith.muli %scan3A_67, %mul3A_418 : i32
      %add3A_420 = arith.constant 6 : i32
      %add3A_421 = arith.addi %mul3A_419, %add3A_420 : i32
      %swap3A_422 = arith.index_cast %add3A_421 : i32 to index
      %swap3A_423 = arith.constant 48 : index
      %swap3A_424 = tpu.vector_load %arg10[%swap3A_422, %swap3A_423] {strides = array<i32>} : memref<128x64xf32, #tpu.memory_space<vmem>>, vector<1x16xf32>,
      %swap3A_425 = vector.shape_cast %swap3A_424 : vector<1x16xf32> to vector<16xf32>
      %swap3A_426 = vector.shape_cast %get3A_7 : vector<16xf32> to vector<1x16xf32>
      tpu.vector_store %arg10[%swap3A_422, %swap3A_423], %swap3A_426 {strides = array<i32>} : memref<128x64xf32, #tpu.memory_space<vmem>>, vector<1x16xf32>,
      %mul3A_427 = arith.constant 8 : i32
      %mul3A_428 = arith.muli %scan3A_67, %mul3A_427 : i32
      %add3A_429 = arith.constant 6 : i32
      %add3A_430 = arith.addi %mul3A_428, %add3A_429 : i32
      %swap3A_431 = arith.index_cast %add3A_430 : i32 to index
      %swap3A_432 = arith.constant 32 : index
      %swap3A_433 = tpu.vector_load %arg11[%swap3A_431, %swap3A_432] {strides = array<i32>} : memref<128x64xf32, #tpu.memory_space<vmem>>, vector<1x16xf32>,
      %swap3A_434 = vector.shape_cast %swap3A_433 : vector<1x16xf32> to vector<16xf32>
      %swap3A_435 = vector.shape_cast %get3A_4 : vector<16xf32> to vector<1x16xf32>
      tpu.vector_store %arg11[%swap3A_431, %swap3A_432], %swap3A_435 {strides = array<i32>} : memref<128x64xf32, #tpu.memory_space<vmem>>, vector<1x16xf32>,
      %mul3A_436 = arith.constant 8 : i32
      %mul3A_437 = arith.muli %scan3A_67, %mul3A_436 : i32
      %add3A_438 = arith.constant 6 : i32
      %add3A_439 = arith.addi %mul3A_437, %add3A_438 : i32
      %swap3A_440 = arith.index_cast %add3A_439 : i32 to index
      %swap3A_441 = arith.constant 48 : index
      %swap3A_442 = tpu.vector_load %arg11[%swap3A_440, %swap3A_441] {strides = array<i32>} : memref<128x64xf32, #tpu.memory_space<vmem>>, vector<1x16xf32>,
      %swap3A_443 = vector.shape_cast %swap3A_442 : vector<1x16xf32> to vector<16xf32>
      %swap3A_444 = vector.shape_cast %get3A_7 : vector<16xf32> to vector<1x16xf32>
      tpu.vector_store %arg11[%swap3A_440, %swap3A_441], %swap3A_444 {strides = array<i32>} : memref<128x64xf32, #tpu.memory_space<vmem>>, vector<1x16xf32>,
      %mul3A_445 = arith.constant 8 : i32
      %mul3A_446 = arith.muli %scan3A_67, %mul3A_445 : i32
      %add3A_447 = arith.constant 7 : i32
      %add3A_448 = arith.addi %mul3A_446, %add3A_447 : i32
      %swap3A_449 = arith.index_cast %add3A_448 : i32 to index
      %swap3A_450 = arith.constant 32 : index
      %swap3A_451 = tpu.vector_load %arg9[%swap3A_449, %swap3A_450] {strides = array<i32>} : memref<128x64xf32, #tpu.memory_space<vmem>>, vector<1x16xf32>,
      %swap3A_452 = vector.shape_cast %swap3A_451 : vector<1x16xf32> to vector<16xf32>
      %swap3A_453 = vector.shape_cast %get3A_4 : vector<16xf32> to vector<1x16xf32>
      tpu.vector_store %arg9[%swap3A_449, %swap3A_450], %swap3A_453 {strides = array<i32>} : memref<128x64xf32, #tpu.memory_space<vmem>>, vector<1x16xf32>,
      %mul3A_454 = arith.constant 8 : i32
      %mul3A_455 = arith.muli %scan3A_67, %mul3A_454 : i32
      %add3A_456 = arith.constant 7 : i32
      %add3A_457 = arith.addi %mul3A_455, %add3A_456 : i32
      %swap3A_458 = arith.index_cast %add3A_457 : i32 to index
      %swap3A_459 = arith.constant 48 : index
      %swap3A_460 = tpu.vector_load %arg9[%swap3A_458, %swap3A_459] {strides = array<i32>} : memref<128x64xf32, #tpu.memory_space<vmem>>, vector<1x16xf32>,
      %swap3A_461 = vector.shape_cast %swap3A_460 : vector<1x16xf32> to vector<16xf32>
      %swap3A_462 = vector.shape_cast %get3A_7 : vector<16xf32> to vector<1x16xf32>
      tpu.vector_store %arg9[%swap3A_458, %swap3A_459], %swap3A_462 {strides = array<i32>} : memref<128x64xf32, #tpu.memory_space<vmem>>, vector<1x16xf32>,
      %mul3A_463 = arith.constant 8 : i32
      %mul3A_464 = arith.muli %scan3A_67, %mul3A_463 : i32
      %add3A_465 = arith.constant 7 : i32
      %add3A_466 = arith.addi %mul3A_464, %add3A_465 : i32
      %swap3A_467 = arith.index_cast %add3A_466 : i32 to index
      %swap3A_468 = arith.constant 32 : index
      %swap3A_469 = tpu.vector_load %arg10[%swap3A_467, %swap3A_468] {strides = array<i32>} : memref<128x64xf32, #tpu.memory_space<vmem>>, vector<1x16xf32>,
      %swap3A_470 = vector.shape_cast %swap3A_469 : vector<1x16xf32> to vector<16xf32>
      %swap3A_471 = vector.shape_cast %get3A_4 : vector<16xf32> to vector<1x16xf32>
      tpu.vector_store %arg10[%swap3A_467, %swap3A_468], %swap3A_471 {strides = array<i32>} : memref<128x64xf32, #tpu.memory_space<vmem>>, vector<1x16xf32>,
      %mul3A_472 = arith.constant 8 : i32
      %mul3A_473 = arith.muli %scan3A_67, %mul3A_472 : i32
      %add3A_474 = arith.constant 7 : i32
      %add3A_475 = arith.addi %mul3A_473, %add3A_474 : i32
      %swap3A_476 = arith.index_cast %add3A_475 : i32 to index
      %swap3A_477 = arith.constant 48 : index
      %swap3A_478 = tpu.vector_load %arg10[%swap3A_476, %swap3A_477] {strides = array<i32>} : memref<128x64xf32, #tpu.memory_space<vmem>>, vector<1x16xf32>,
      %swap3A_479 = vector.shape_cast %swap3A_478 : vector<1x16xf32> to vector<16xf32>
      %swap3A_480 = vector.shape_cast %get3A_7 : vector<16xf32> to vector<1x16xf32>
      tpu.vector_store %arg10[%swap3A_476, %swap3A_477], %swap3A_480 {strides = array<i32>} : memref<128x64xf32, #tpu.memory_space<vmem>>, vector<1x16xf32>,
      %mul3A_481 = arith.constant 8 : i32
      %mul3A_482 = arith.muli %scan3A_67, %mul3A_481 : i32
      %add3A_483 = arith.constant 7 : i32
      %add3A_484 = arith.addi %mul3A_482, %add3A_483 : i32
      %swap3A_485 = arith.index_cast %add3A_484 : i32 to index
      %swap3A_486 = arith.constant 32 : index
      %swap3A_487 = tpu.vector_load %arg11[%swap3A_485, %swap3A_486] {strides = array<i32>} : memref<128x64xf32, #tpu.memory_space<vmem>>, vector<1x16xf32>,
      %swap3A_488 = vector.shape_cast %swap3A_487 : vector<1x16xf32> to vector<16xf32>
      %swap3A_489 = vector.shape_cast %get3A_4 : vector<16xf32> to vector<1x16xf32>
      tpu.vector_store %arg11[%swap3A_485, %swap3A_486], %swap3A_489 {strides = array<i32>} : memref<128x64xf32, #tpu.memory_space<vmem>>, vector<1x16xf32>,
      %mul3A_490 = arith.constant 8 : i32
      %mul3A_491 = arith.muli %scan3A_67, %mul3A_490 : i32
      %add3A_492 = arith.constant 7 : i32
      %add3A_493 = arith.addi %mul3A_491, %add3A_492 : i32
      %swap3A_494 = arith.index_cast %add3A_493 : i32 to index
      %swap3A_495 = arith.constant 48 : index
      %swap3A_496 = tpu.vector_load %arg11[%swap3A_494, %swap3A_495] {strides = array<i32>} : memref<128x64xf32, #tpu.memory_space<vmem>>, vector<1x16xf32>,
      %swap3A_497 = vector.shape_cast %swap3A_496 : vector<1x16xf32> to vector<16xf32>
      %swap3A_498 = vector.shape_cast %get3A_7 : vector<16xf32> to vector<1x16xf32>
      tpu.vector_store %arg11[%swap3A_494, %swap3A_495], %swap3A_498 {strides = array<i32>} : memref<128x64xf32, #tpu.memory_space<vmem>>, vector<1x16xf32>,
    }
    %scan3A_12 = arith.constant 16 : i32
    %add3A_13 = arith.constant 0 : i32
    %add3A_14 = arith.addi %mul3A_2, %add3A_13 : i32
    %dma_start3A = arith.constant 0 : i32
    %dma_start3A_15 = tpu.memref_slice %arg2[%add3A_14, %dma_start3A] : memref<262144x32xf32, #tpu.memory_space<hbm>> -> memref<128x32xf32, #tpu.memory_space<hbm>>
    %dma_start3A_16 = arith.constant 0 : i32
    %dma_start3A_17 = tpu.memref_slice %arg2[%add3A_14, %dma_start3A_16] : memref<262144x32xf32, #tpu.memory_space<hbm>> -> memref<128x32xf32, #tpu.memory_space<hbm>>
    tpu.enqueue_dma source(%dma_start3A_17 : memref<128x32xf32, #tpu.memory_space<hbm>>) target(%arg6 : memref<128x32xf32, #tpu.memory_space<vmem>>) target_semaphore(%arg12 : memref<!tpu.dma_semaphore, #tpu.memory_space<semaphore_mem>>)
    %add3A_18 = arith.constant 128 : i32
    %add3A_19 = arith.addi %mul3A_2, %add3A_18 : i32
    %dma_start3A_20 = arith.constant 0 : i32
    %dma_start3A_21 = tpu.memref_slice %arg2[%add3A_19, %dma_start3A_20] : memref<262144x32xf32, #tpu.memory_space<hbm>> -> memref<128x32xf32, #tpu.memory_space<hbm>>
    %dma_start3A_22 = arith.constant 0 : i32
    %dma_start3A_23 = tpu.memref_slice %arg2[%add3A_19, %dma_start3A_22] : memref<262144x32xf32, #tpu.memory_space<hbm>> -> memref<128x32xf32, #tpu.memory_space<hbm>>
    tpu.enqueue_dma source(%dma_start3A_23 : memref<128x32xf32, #tpu.memory_space<hbm>>) target(%arg7 : memref<128x32xf32, #tpu.memory_space<vmem>>) target_semaphore(%arg13 : memref<!tpu.dma_semaphore, #tpu.memory_space<semaphore_mem>>)
    %add3A_24 = arith.constant 256 : i32
    %add3A_25 = arith.addi %mul3A_2, %add3A_24 : i32
    %dma_start3A_26 = arith.constant 0 : i32
    %dma_start3A_27 = tpu.memref_slice %arg2[%add3A_25, %dma_start3A_26] : memref<262144x32xf32, #tpu.memory_space<hbm>> -> memref<128x32xf32, #tpu.memory_space<hbm>>
    %dma_start3A_28 = arith.constant 0 : i32
    %dma_start3A_29 = tpu.memref_slice %arg2[%add3A_25, %dma_start3A_28] : memref<262144x32xf32, #tpu.memory_space<hbm>> -> memref<128x32xf32, #tpu.memory_space<hbm>>
    tpu.enqueue_dma source(%dma_start3A_29 : memref<128x32xf32, #tpu.memory_space<hbm>>) target(%arg8 : memref<128x32xf32, #tpu.memory_space<vmem>>) target_semaphore(%arg14 : memref<!tpu.dma_semaphore, #tpu.memory_space<semaphore_mem>>)
    %scan3A_30 = arith.constant 0 : i32
    %scan3A_31 = arith.constant 0 : i32
    %scan3A_32 = arith.constant 21 : i32
    %scan3A_33 = arith.addi %scan3A_31, %scan3A_32 : i32
    %scan3A_34 = arith.constant 1 : i32
    scf.for %scan3A_67 = %scan3A_31 to %scan3A_33 step %scan3A_34  : i32 {
      %mul3A_68 = arith.constant 3 : i32
      %mul3A_69 = arith.muli %mul3A_68, %scan3A_67 : i32
      %add3A_70 = arith.constant 0 : i32
      %add3A_71 = arith.addi %mul3A_69, %add3A_70 : i32
      %gt3A = arith.constant 0 : i32
      %gt3A_72 = arith.cmpi sgt, %scan3A_67, %gt3A : i32
      %convert_element_type3A = arith.extui %gt3A_72 : i1 to i32
      %cond3A = arith.constant 0 : i32
      %cond3A_73 = arith.cmpi ne, %convert_element_type3A, %cond3A : i32
      scf.if %cond3A_73 {
        %dma_wait3A_163 = arith.constant 0 : i32
        %dma_wait3A_164 = tpu.memref_slice %arg4[%mul3A_2, %dma_wait3A_163] : memref<262144x64xf32, #tpu.memory_space<hbm>> -> memref<128x64xf32, #tpu.memory_space<hbm>>
        %dma_wait3A_165 = arith.constant 0 : i32
        %dma_wait3A_166 = tpu.memref_slice %arg4[%mul3A_2, %dma_wait3A_165] : memref<262144x64xf32, #tpu.memory_space<hbm>> -> memref<128x64xf32, #tpu.memory_space<hbm>>
        tpu.wait_dma2 semaphore(%arg15 : memref<!tpu.dma_semaphore, #tpu.memory_space<semaphore_mem>>) src(%arg9 : memref<128x64xf32, #tpu.memory_space<vmem>>) dst(%dma_wait3A_166 : memref<128x64xf32, #tpu.memory_space<hbm>>)
      } else {
      }
      %dma_wait3A_74 = arith.constant 0 : i32
      %dma_wait3A_75 = tpu.memref_slice %arg2[%mul3A_2, %dma_wait3A_74] : memref<262144x32xf32, #tpu.memory_space<hbm>> -> memref<128x32xf32, #tpu.memory_space<hbm>>
      %dma_wait3A_76 = arith.constant 0 : i32
      %dma_wait3A_77 = tpu.memref_slice %arg2[%mul3A_2, %dma_wait3A_76] : memref<262144x32xf32, #tpu.memory_space<hbm>> -> memref<128x32xf32, #tpu.memory_space<hbm>>
      tpu.wait_dma2 semaphore(%arg12 : memref<!tpu.dma_semaphore, #tpu.memory_space<semaphore_mem>>) src(%dma_wait3A_77 : memref<128x32xf32, #tpu.memory_space<hbm>>) dst(%arg6 : memref<128x32xf32, #tpu.memory_space<vmem>>)
      %scan3A_78 = arith.constant 0 : i32
      %scan3A_79 = arith.constant 0 : i32
      %scan3A_80 = arith.constant 16 : i32
      %scan3A_81 = arith.addi %scan3A_79, %scan3A_80 : i32
      %scan3A_82 = arith.constant 1 : i32
      scf.for %scan3A_163 = %scan3A_79 to %scan3A_81 step %scan3A_82  : i32 {
        %mul3A_164 = arith.constant 8 : i32
        %mul3A_165 = arith.muli %scan3A_163, %mul3A_164 : i32
        %add3A_166 = arith.constant 0 : i32
        %add3A_167 = arith.addi %mul3A_165, %add3A_166 : i32
        %get3A_168 = arith.index_cast %add3A_167 : i32 to index
        %get3A_169 = arith.constant 0 : index
        %get3A_170 = tpu.vector_load %arg6[%get3A_168, %get3A_169] {strides = array<i32>} : memref<128x32xf32, #tpu.memory_space<vmem>>, vector<1x16xf32>,
        %get3A_171 = vector.shape_cast %get3A_170 : vector<1x16xf32> to vector<16xf32>
        %mul3A_172 = arith.constant 8 : i32
        %mul3A_173 = arith.muli %scan3A_163, %mul3A_172 : i32
        %add3A_174 = arith.constant 0 : i32
        %add3A_175 = arith.addi %mul3A_173, %add3A_174 : i32
        %swap3A = arith.index_cast %add3A_175 : i32 to index
        %swap3A_176 = arith.constant 0 : index
        %swap3A_177 = tpu.vector_load %arg9[%swap3A, %swap3A_176] {strides = array<i32>} : memref<128x64xf32, #tpu.memory_space<vmem>>, vector<1x16xf32>,
        %swap3A_178 = vector.shape_cast %swap3A_177 : vector<1x16xf32> to vector<16xf32>
        %swap3A_179 = vector.shape_cast %get3A_171 : vector<16xf32> to vector<1x16xf32>
        tpu.vector_store %arg9[%swap3A, %swap3A_176], %swap3A_179 {strides = array<i32>} : memref<128x64xf32, #tpu.memory_space<vmem>>, vector<1x16xf32>,
        %mul3A_180 = arith.constant 8 : i32
        %mul3A_181 = arith.muli %scan3A_163, %mul3A_180 : i32
        %add3A_182 = arith.constant 0 : i32
        %add3A_183 = arith.addi %mul3A_181, %add3A_182 : i32
        %get3A_184 = arith.index_cast %add3A_183 : i32 to index
        %get3A_185 = arith.constant 16 : index
        %get3A_186 = tpu.vector_load %arg6[%get3A_184, %get3A_185] {strides = array<i32>} : memref<128x32xf32, #tpu.memory_space<vmem>>, vector<1x16xf32>,
        %get3A_187 = vector.shape_cast %get3A_186 : vector<1x16xf32> to vector<16xf32>
        %mul3A_188 = arith.constant 8 : i32
        %mul3A_189 = arith.muli %scan3A_163, %mul3A_188 : i32
        %add3A_190 = arith.constant 0 : i32
        %add3A_191 = arith.addi %mul3A_189, %add3A_190 : i32
        %swap3A_192 = arith.index_cast %add3A_191 : i32 to index
        %swap3A_193 = arith.constant 16 : index
        %swap3A_194 = tpu.vector_load %arg9[%swap3A_192, %swap3A_193] {strides = array<i32>} : memref<128x64xf32, #tpu.memory_space<vmem>>, vector<1x16xf32>,
        %swap3A_195 = vector.shape_cast %swap3A_194 : vector<1x16xf32> to vector<16xf32>
        %swap3A_196 = vector.shape_cast %get3A_187 : vector<16xf32> to vector<1x16xf32>
        tpu.vector_store %arg9[%swap3A_192, %swap3A_193], %swap3A_196 {strides = array<i32>} : memref<128x64xf32, #tpu.memory_space<vmem>>, vector<1x16xf32>,
        %mul3A_197 = arith.constant 8 : i32
        %mul3A_198 = arith.muli %scan3A_163, %mul3A_197 : i32
        %add3A_199 = arith.constant 1 : i32
        %add3A_200 = arith.addi %mul3A_198, %add3A_199 : i32
        %get3A_201 = arith.index_cast %add3A_200 : i32 to index
        %get3A_202 = arith.constant 0 : index
        %get3A_203 = tpu.vector_load %arg6[%get3A_201, %get3A_202] {strides = array<i32>} : memref<128x32xf32, #tpu.memory_space<vmem>>, vector<1x16xf32>,
        %get3A_204 = vector.shape_cast %get3A_203 : vector<1x16xf32> to vector<16xf32>
        %mul3A_205 = arith.constant 8 : i32
        %mul3A_206 = arith.muli %scan3A_163, %mul3A_205 : i32
        %add3A_207 = arith.constant 1 : i32
        %add3A_208 = arith.addi %mul3A_206, %add3A_207 : i32
        %swap3A_209 = arith.index_cast %add3A_208 : i32 to index
        %swap3A_210 = arith.constant 0 : index
        %swap3A_211 = tpu.vector_load %arg9[%swap3A_209, %swap3A_210] {strides = array<i32>} : memref<128x64xf32, #tpu.memory_space<vmem>>, vector<1x16xf32>,
        %swap3A_212 = vector.shape_cast %swap3A_211 : vector<1x16xf32> to vector<16xf32>
        %swap3A_213 = vector.shape_cast %get3A_204 : vector<16xf32> to vector<1x16xf32>
        tpu.vector_store %arg9[%swap3A_209, %swap3A_210], %swap3A_213 {strides = array<i32>} : memref<128x64xf32, #tpu.memory_space<vmem>>, vector<1x16xf32>,
        %mul3A_214 = arith.constant 8 : i32
        %mul3A_215 = arith.muli %scan3A_163, %mul3A_214 : i32
        %add3A_216 = arith.constant 1 : i32
        %add3A_217 = arith.addi %mul3A_215, %add3A_216 : i32
        %get3A_218 = arith.index_cast %add3A_217 : i32 to index
        %get3A_219 = arith.constant 16 : index
        %get3A_220 = tpu.vector_load %arg6[%get3A_218, %get3A_219] {strides = array<i32>} : memref<128x32xf32, #tpu.memory_space<vmem>>, vector<1x16xf32>,
        %get3A_221 = vector.shape_cast %get3A_220 : vector<1x16xf32> to vector<16xf32>
        %mul3A_222 = arith.constant 8 : i32
        %mul3A_223 = arith.muli %scan3A_163, %mul3A_222 : i32
        %add3A_224 = arith.constant 1 : i32
        %add3A_225 = arith.addi %mul3A_223, %add3A_224 : i32
        %swap3A_226 = arith.index_cast %add3A_225 : i32 to index
        %swap3A_227 = arith.constant 16 : index
        %swap3A_228 = tpu.vector_load %arg9[%swap3A_226, %swap3A_227] {strides = array<i32>} : memref<128x64xf32, #tpu.memory_space<vmem>>, vector<1x16xf32>,
        %swap3A_229 = vector.shape_cast %swap3A_228 : vector<1x16xf32> to vector<16xf32>
        %swap3A_230 = vector.shape_cast %get3A_221 : vector<16xf32> to vector<1x16xf32>
        tpu.vector_store %arg9[%swap3A_226, %swap3A_227], %swap3A_230 {strides = array<i32>} : memref<128x64xf32, #tpu.memory_space<vmem>>, vector<1x16xf32>,
        %mul3A_231 = arith.constant 8 : i32
        %mul3A_232 = arith.muli %scan3A_163, %mul3A_231 : i32
        %add3A_233 = arith.constant 2 : i32
        %add3A_234 = arith.addi %mul3A_232, %add3A_233 : i32
        %get3A_235 = arith.index_cast %add3A_234 : i32 to index
        %get3A_236 = arith.constant 0 : index
        %get3A_237 = tpu.vector_load %arg6[%get3A_235, %get3A_236] {strides = array<i32>} : memref<128x32xf32, #tpu.memory_space<vmem>>, vector<1x16xf32>,
        %get3A_238 = vector.shape_cast %get3A_237 : vector<1x16xf32> to vector<16xf32>
        %mul3A_239 = arith.constant 8 : i32
        %mul3A_240 = arith.muli %scan3A_163, %mul3A_239 : i32
        %add3A_241 = arith.constant 2 : i32
        %add3A_242 = arith.addi %mul3A_240, %add3A_241 : i32
        %swap3A_243 = arith.index_cast %add3A_242 : i32 to index
        %swap3A_244 = arith.constant 0 : index
        %swap3A_245 = tpu.vector_load %arg9[%swap3A_243, %swap3A_244] {strides = array<i32>} : memref<128x64xf32, #tpu.memory_space<vmem>>, vector<1x16xf32>,
        %swap3A_246 = vector.shape_cast %swap3A_245 : vector<1x16xf32> to vector<16xf32>
        %swap3A_247 = vector.shape_cast %get3A_238 : vector<16xf32> to vector<1x16xf32>
        tpu.vector_store %arg9[%swap3A_243, %swap3A_244], %swap3A_247 {strides = array<i32>} : memref<128x64xf32, #tpu.memory_space<vmem>>, vector<1x16xf32>,
        %mul3A_248 = arith.constant 8 : i32
        %mul3A_249 = arith.muli %scan3A_163, %mul3A_248 : i32
        %add3A_250 = arith.constant 2 : i32
        %add3A_251 = arith.addi %mul3A_249, %add3A_250 : i32
        %get3A_252 = arith.index_cast %add3A_251 : i32 to index
        %get3A_253 = arith.constant 16 : index
        %get3A_254 = tpu.vector_load %arg6[%get3A_252, %get3A_253] {strides = array<i32>} : memref<128x32xf32, #tpu.memory_space<vmem>>, vector<1x16xf32>,
        %get3A_255 = vector.shape_cast %get3A_254 : vector<1x16xf32> to vector<16xf32>
        %mul3A_256 = arith.constant 8 : i32
        %mul3A_257 = arith.muli %scan3A_163, %mul3A_256 : i32
        %add3A_258 = arith.constant 2 : i32
        %add3A_259 = arith.addi %mul3A_257, %add3A_258 : i32
        %swap3A_260 = arith.index_cast %add3A_259 : i32 to index
        %swap3A_261 = arith.constant 16 : index
        %swap3A_262 = tpu.vector_load %arg9[%swap3A_260, %swap3A_261] {strides = array<i32>} : memref<128x64xf32, #tpu.memory_space<vmem>>, vector<1x16xf32>,
        %swap3A_263 = vector.shape_cast %swap3A_262 : vector<1x16xf32> to vector<16xf32>
        %swap3A_264 = vector.shape_cast %get3A_255 : vector<16xf32> to vector<1x16xf32>
        tpu.vector_store %arg9[%swap3A_260, %swap3A_261], %swap3A_264 {strides = array<i32>} : memref<128x64xf32, #tpu.memory_space<vmem>>, vector<1x16xf32>,
        %mul3A_265 = arith.constant 8 : i32
        %mul3A_266 = arith.muli %scan3A_163, %mul3A_265 : i32
        %add3A_267 = arith.constant 3 : i32
        %add3A_268 = arith.addi %mul3A_266, %add3A_267 : i32
        %get3A_269 = arith.index_cast %add3A_268 : i32 to index
        %get3A_270 = arith.constant 0 : index
        %get3A_271 = tpu.vector_load %arg6[%get3A_269, %get3A_270] {strides = array<i32>} : memref<128x32xf32, #tpu.memory_space<vmem>>, vector<1x16xf32>,
        %get3A_272 = vector.shape_cast %get3A_271 : vector<1x16xf32> to vector<16xf32>
        %mul3A_273 = arith.constant 8 : i32
        %mul3A_274 = arith.muli %scan3A_163, %mul3A_273 : i32
        %add3A_275 = arith.constant 3 : i32
        %add3A_276 = arith.addi %mul3A_274, %add3A_275 : i32
        %swap3A_277 = arith.index_cast %add3A_276 : i32 to index
        %swap3A_278 = arith.constant 0 : index
        %swap3A_279 = tpu.vector_load %arg9[%swap3A_277, %swap3A_278] {strides = array<i32>} : memref<128x64xf32, #tpu.memory_space<vmem>>, vector<1x16xf32>,
        %swap3A_280 = vector.shape_cast %swap3A_279 : vector<1x16xf32> to vector<16xf32>
        %swap3A_281 = vector.shape_cast %get3A_272 : vector<16xf32> to vector<1x16xf32>
        tpu.vector_store %arg9[%swap3A_277, %swap3A_278], %swap3A_281 {strides = array<i32>} : memref<128x64xf32, #tpu.memory_space<vmem>>, vector<1x16xf32>,
        %mul3A_282 = arith.constant 8 : i32
        %mul3A_283 = arith.muli %scan3A_163, %mul3A_282 : i32
        %add3A_284 = arith.constant 3 : i32
        %add3A_285 = arith.addi %mul3A_283, %add3A_284 : i32
        %get3A_286 = arith.index_cast %add3A_285 : i32 to index
        %get3A_287 = arith.constant 16 : index
        %get3A_288 = tpu.vector_load %arg6[%get3A_286, %get3A_287] {strides = array<i32>} : memref<128x32xf32, #tpu.memory_space<vmem>>, vector<1x16xf32>,
        %get3A_289 = vector.shape_cast %get3A_288 : vector<1x16xf32> to vector<16xf32>
        %mul3A_290 = arith.constant 8 : i32
        %mul3A_291 = arith.muli %scan3A_163, %mul3A_290 : i32
        %add3A_292 = arith.constant 3 : i32
        %add3A_293 = arith.addi %mul3A_291, %add3A_292 : i32
        %swap3A_294 = arith.index_cast %add3A_293 : i32 to index
        %swap3A_295 = arith.constant 16 : index
        %swap3A_296 = tpu.vector_load %arg9[%swap3A_294, %swap3A_295] {strides = array<i32>} : memref<128x64xf32, #tpu.memory_space<vmem>>, vector<1x16xf32>,
        %swap3A_297 = vector.shape_cast %swap3A_296 : vector<1x16xf32> to vector<16xf32>
        %swap3A_298 = vector.shape_cast %get3A_289 : vector<16xf32> to vector<1x16xf32>
        tpu.vector_store %arg9[%swap3A_294, %swap3A_295], %swap3A_298 {strides = array<i32>} : memref<128x64xf32, #tpu.memory_space<vmem>>, vector<1x16xf32>,
        %mul3A_299 = arith.constant 8 : i32
        %mul3A_300 = arith.muli %scan3A_163, %mul3A_299 : i32
        %add3A_301 = arith.constant 4 : i32
        %add3A_302 = arith.addi %mul3A_300, %add3A_301 : i32
        %get3A_303 = arith.index_cast %add3A_302 : i32 to index
        %get3A_304 = arith.constant 0 : index
        %get3A_305 = tpu.vector_load %arg6[%get3A_303, %get3A_304] {strides = array<i32>} : memref<128x32xf32, #tpu.memory_space<vmem>>, vector<1x16xf32>,
        %get3A_306 = vector.shape_cast %get3A_305 : vector<1x16xf32> to vector<16xf32>
        %mul3A_307 = arith.constant 8 : i32
        %mul3A_308 = arith.muli %scan3A_163, %mul3A_307 : i32
        %add3A_309 = arith.constant 4 : i32
        %add3A_310 = arith.addi %mul3A_308, %add3A_309 : i32
        %swap3A_311 = arith.index_cast %add3A_310 : i32 to index
        %swap3A_312 = arith.constant 0 : index
        %swap3A_313 = tpu.vector_load %arg9[%swap3A_311, %swap3A_312] {strides = array<i32>} : memref<128x64xf32, #tpu.memory_space<vmem>>, vector<1x16xf32>,
        %swap3A_314 = vector.shape_cast %swap3A_313 : vector<1x16xf32> to vector<16xf32>
        %swap3A_315 = vector.shape_cast %get3A_306 : vector<16xf32> to vector<1x16xf32>
        tpu.vector_store %arg9[%swap3A_311, %swap3A_312], %swap3A_315 {strides = array<i32>} : memref<128x64xf32, #tpu.memory_space<vmem>>, vector<1x16xf32>,
        %mul3A_316 = arith.constant 8 : i32
        %mul3A_317 = arith.muli %scan3A_163, %mul3A_316 : i32
        %add3A_318 = arith.constant 4 : i32
        %add3A_319 = arith.addi %mul3A_317, %add3A_318 : i32
        %get3A_320 = arith.index_cast %add3A_319 : i32 to index
        %get3A_321 = arith.constant 16 : index
        %get3A_322 = tpu.vector_load %arg6[%get3A_320, %get3A_321] {strides = array<i32>} : memref<128x32xf32, #tpu.memory_space<vmem>>, vector<1x16xf32>,
        %get3A_323 = vector.shape_cast %get3A_322 : vector<1x16xf32> to vector<16xf32>
        %mul3A_324 = arith.constant 8 : i32
        %mul3A_325 = arith.muli %scan3A_163, %mul3A_324 : i32
        %add3A_326 = arith.constant 4 : i32
        %add3A_327 = arith.addi %mul3A_325, %add3A_326 : i32
        %swap3A_328 = arith.index_cast %add3A_327 : i32 to index
        %swap3A_329 = arith.constant 16 : index
        %swap3A_330 = tpu.vector_load %arg9[%swap3A_328, %swap3A_329] {strides = array<i32>} : memref<128x64xf32, #tpu.memory_space<vmem>>, vector<1x16xf32>,
        %swap3A_331 = vector.shape_cast %swap3A_330 : vector<1x16xf32> to vector<16xf32>
        %swap3A_332 = vector.shape_cast %get3A_323 : vector<16xf32> to vector<1x16xf32>
        tpu.vector_store %arg9[%swap3A_328, %swap3A_329], %swap3A_332 {strides = array<i32>} : memref<128x64xf32, #tpu.memory_space<vmem>>, vector<1x16xf32>,
        %mul3A_333 = arith.constant 8 : i32
        %mul3A_334 = arith.muli %scan3A_163, %mul3A_333 : i32
        %add3A_335 = arith.constant 5 : i32
        %add3A_336 = arith.addi %mul3A_334, %add3A_335 : i32
        %get3A_337 = arith.index_cast %add3A_336 : i32 to index
        %get3A_338 = arith.constant 0 : index
        %get3A_339 = tpu.vector_load %arg6[%get3A_337, %get3A_338] {strides = array<i32>} : memref<128x32xf32, #tpu.memory_space<vmem>>, vector<1x16xf32>,
        %get3A_340 = vector.shape_cast %get3A_339 : vector<1x16xf32> to vector<16xf32>
        %mul3A_341 = arith.constant 8 : i32
        %mul3A_342 = arith.muli %scan3A_163, %mul3A_341 : i32
        %add3A_343 = arith.constant 5 : i32
        %add3A_344 = arith.addi %mul3A_342, %add3A_343 : i32
        %swap3A_345 = arith.index_cast %add3A_344 : i32 to index
        %swap3A_346 = arith.constant 0 : index
        %swap3A_347 = tpu.vector_load %arg9[%swap3A_345, %swap3A_346] {strides = array<i32>} : memref<128x64xf32, #tpu.memory_space<vmem>>, vector<1x16xf32>,
        %swap3A_348 = vector.shape_cast %swap3A_347 : vector<1x16xf32> to vector<16xf32>
        %swap3A_349 = vector.shape_cast %get3A_340 : vector<16xf32> to vector<1x16xf32>
        tpu.vector_store %arg9[%swap3A_345, %swap3A_346], %swap3A_349 {strides = array<i32>} : memref<128x64xf32, #tpu.memory_space<vmem>>, vector<1x16xf32>,
        %mul3A_350 = arith.constant 8 : i32
        %mul3A_351 = arith.muli %scan3A_163, %mul3A_350 : i32
        %add3A_352 = arith.constant 5 : i32
        %add3A_353 = arith.addi %mul3A_351, %add3A_352 : i32
        %get3A_354 = arith.index_cast %add3A_353 : i32 to index
        %get3A_355 = arith.constant 16 : index
        %get3A_356 = tpu.vector_load %arg6[%get3A_354, %get3A_355] {strides = array<i32>} : memref<128x32xf32, #tpu.memory_space<vmem>>, vector<1x16xf32>,
        %get3A_357 = vector.shape_cast %get3A_356 : vector<1x16xf32> to vector<16xf32>
        %mul3A_358 = arith.constant 8 : i32
        %mul3A_359 = arith.muli %scan3A_163, %mul3A_358 : i32
        %add3A_360 = arith.constant 5 : i32
        %add3A_361 = arith.addi %mul3A_359, %add3A_360 : i32
        %swap3A_362 = arith.index_cast %add3A_361 : i32 to index
        %swap3A_363 = arith.constant 16 : index
        %swap3A_364 = tpu.vector_load %arg9[%swap3A_362, %swap3A_363] {strides = array<i32>} : memref<128x64xf32, #tpu.memory_space<vmem>>, vector<1x16xf32>,
        %swap3A_365 = vector.shape_cast %swap3A_364 : vector<1x16xf32> to vector<16xf32>
        %swap3A_366 = vector.shape_cast %get3A_357 : vector<16xf32> to vector<1x16xf32>
        tpu.vector_store %arg9[%swap3A_362, %swap3A_363], %swap3A_366 {strides = array<i32>} : memref<128x64xf32, #tpu.memory_space<vmem>>, vector<1x16xf32>,
        %mul3A_367 = arith.constant 8 : i32
        %mul3A_368 = arith.muli %scan3A_163, %mul3A_367 : i32
        %add3A_369 = arith.constant 6 : i32
        %add3A_370 = arith.addi %mul3A_368, %add3A_369 : i32
        %get3A_371 = arith.index_cast %add3A_370 : i32 to index
        %get3A_372 = arith.constant 0 : index
        %get3A_373 = tpu.vector_load %arg6[%get3A_371, %get3A_372] {strides = array<i32>} : memref<128x32xf32, #tpu.memory_space<vmem>>, vector<1x16xf32>,
        %get3A_374 = vector.shape_cast %get3A_373 : vector<1x16xf32> to vector<16xf32>
        %mul3A_375 = arith.constant 8 : i32
        %mul3A_376 = arith.muli %scan3A_163, %mul3A_375 : i32
        %add3A_377 = arith.constant 6 : i32
        %add3A_378 = arith.addi %mul3A_376, %add3A_377 : i32
        %swap3A_379 = arith.index_cast %add3A_378 : i32 to index
        %swap3A_380 = arith.constant 0 : index
        %swap3A_381 = tpu.vector_load %arg9[%swap3A_379, %swap3A_380] {strides = array<i32>} : memref<128x64xf32, #tpu.memory_space<vmem>>, vector<1x16xf32>,
        %swap3A_382 = vector.shape_cast %swap3A_381 : vector<1x16xf32> to vector<16xf32>
        %swap3A_383 = vector.shape_cast %get3A_374 : vector<16xf32> to vector<1x16xf32>
        tpu.vector_store %arg9[%swap3A_379, %swap3A_380], %swap3A_383 {strides = array<i32>} : memref<128x64xf32, #tpu.memory_space<vmem>>, vector<1x16xf32>,
        %mul3A_384 = arith.constant 8 : i32
        %mul3A_385 = arith.muli %scan3A_163, %mul3A_384 : i32
        %add3A_386 = arith.constant 6 : i32
        %add3A_387 = arith.addi %mul3A_385, %add3A_386 : i32
        %get3A_388 = arith.index_cast %add3A_387 : i32 to index
        %get3A_389 = arith.constant 16 : index
        %get3A_390 = tpu.vector_load %arg6[%get3A_388, %get3A_389] {strides = array<i32>} : memref<128x32xf32, #tpu.memory_space<vmem>>, vector<1x16xf32>,
        %get3A_391 = vector.shape_cast %get3A_390 : vector<1x16xf32> to vector<16xf32>
        %mul3A_392 = arith.constant 8 : i32
        %mul3A_393 = arith.muli %scan3A_163, %mul3A_392 : i32
        %add3A_394 = arith.constant 6 : i32
        %add3A_395 = arith.addi %mul3A_393, %add3A_394 : i32
        %swap3A_396 = arith.index_cast %add3A_395 : i32 to index
        %swap3A_397 = arith.constant 16 : index
        %swap3A_398 = tpu.vector_load %arg9[%swap3A_396, %swap3A_397] {strides = array<i32>} : memref<128x64xf32, #tpu.memory_space<vmem>>, vector<1x16xf32>,
        %swap3A_399 = vector.shape_cast %swap3A_398 : vector<1x16xf32> to vector<16xf32>
        %swap3A_400 = vector.shape_cast %get3A_391 : vector<16xf32> to vector<1x16xf32>
        tpu.vector_store %arg9[%swap3A_396, %swap3A_397], %swap3A_400 {strides = array<i32>} : memref<128x64xf32, #tpu.memory_space<vmem>>, vector<1x16xf32>,
        %mul3A_401 = arith.constant 8 : i32
        %mul3A_402 = arith.muli %scan3A_163, %mul3A_401 : i32
        %add3A_403 = arith.constant 7 : i32
        %add3A_404 = arith.addi %mul3A_402, %add3A_403 : i32
        %get3A_405 = arith.index_cast %add3A_404 : i32 to index
        %get3A_406 = arith.constant 0 : index
        %get3A_407 = tpu.vector_load %arg6[%get3A_405, %get3A_406] {strides = array<i32>} : memref<128x32xf32, #tpu.memory_space<vmem>>, vector<1x16xf32>,
        %get3A_408 = vector.shape_cast %get3A_407 : vector<1x16xf32> to vector<16xf32>
        %mul3A_409 = arith.constant 8 : i32
        %mul3A_410 = arith.muli %scan3A_163, %mul3A_409 : i32
        %add3A_411 = arith.constant 7 : i32
        %add3A_412 = arith.addi %mul3A_410, %add3A_411 : i32
        %swap3A_413 = arith.index_cast %add3A_412 : i32 to index
        %swap3A_414 = arith.constant 0 : index
        %swap3A_415 = tpu.vector_load %arg9[%swap3A_413, %swap3A_414] {strides = array<i32>} : memref<128x64xf32, #tpu.memory_space<vmem>>, vector<1x16xf32>,
        %swap3A_416 = vector.shape_cast %swap3A_415 : vector<1x16xf32> to vector<16xf32>
        %swap3A_417 = vector.shape_cast %get3A_408 : vector<16xf32> to vector<1x16xf32>
        tpu.vector_store %arg9[%swap3A_413, %swap3A_414], %swap3A_417 {strides = array<i32>} : memref<128x64xf32, #tpu.memory_space<vmem>>, vector<1x16xf32>,
        %mul3A_418 = arith.constant 8 : i32
        %mul3A_419 = arith.muli %scan3A_163, %mul3A_418 : i32
        %add3A_420 = arith.constant 7 : i32
        %add3A_421 = arith.addi %mul3A_419, %add3A_420 : i32
        %get3A_422 = arith.index_cast %add3A_421 : i32 to index
        %get3A_423 = arith.constant 16 : index
        %get3A_424 = tpu.vector_load %arg6[%get3A_422, %get3A_423] {strides = array<i32>} : memref<128x32xf32, #tpu.memory_space<vmem>>, vector<1x16xf32>,
        %get3A_425 = vector.shape_cast %get3A_424 : vector<1x16xf32> to vector<16xf32>
        %mul3A_426 = arith.constant 8 : i32
        %mul3A_427 = arith.muli %scan3A_163, %mul3A_426 : i32
        %add3A_428 = arith.constant 7 : i32
        %add3A_429 = arith.addi %mul3A_427, %add3A_428 : i32
        %swap3A_430 = arith.index_cast %add3A_429 : i32 to index
        %swap3A_431 = arith.constant 16 : index
        %swap3A_432 = tpu.vector_load %arg9[%swap3A_430, %swap3A_431] {strides = array<i32>} : memref<128x64xf32, #tpu.memory_space<vmem>>, vector<1x16xf32>,
        %swap3A_433 = vector.shape_cast %swap3A_432 : vector<1x16xf32> to vector<16xf32>
        %swap3A_434 = vector.shape_cast %get3A_425 : vector<16xf32> to vector<1x16xf32>
        tpu.vector_store %arg9[%swap3A_430, %swap3A_431], %swap3A_434 {strides = array<i32>} : memref<128x64xf32, #tpu.memory_space<vmem>>, vector<1x16xf32>,
      }
      %scan3A_83 = arith.constant 16 : i32
      %mul3A_84 = arith.constant 128 : i32
      %mul3A_85 = arith.muli %add3A_71, %mul3A_84 : i32
      %add3A_86 = arith.addi %mul3A_2, %mul3A_85 : i32
      %dma_start3A_87 = arith.constant 0 : i32
      %dma_start3A_88 = tpu.memref_slice %arg4[%add3A_86, %dma_start3A_87] : memref<262144x64xf32, #tpu.memory_space<hbm>> -> memref<128x64xf32, #tpu.memory_space<hbm>>
      %dma_start3A_89 = arith.constant 0 : i32
      %dma_start3A_90 = tpu.memref_slice %arg4[%add3A_86, %dma_start3A_89] : memref<262144x64xf32, #tpu.memory_space<hbm>> -> memref<128x64xf32, #tpu.memory_space<hbm>>
      tpu.enqueue_dma source(%arg9 : memref<128x64xf32, #tpu.memory_space<vmem>>) target(%dma_start3A_90 : memref<128x64xf32, #tpu.memory_space<hbm>>) target_semaphore(%arg15 : memref<!tpu.dma_semaphore, #tpu.memory_space<semaphore_mem>>)
      %add3A_91 = arith.constant 3 : i32
      %add3A_92 = arith.addi %add3A_71, %add3A_91 : i32
      %lt3A = arith.constant 64 : i32
      %lt3A_93 = arith.cmpi slt, %add3A_92, %lt3A : i32
      %convert_element_type3A_94 = arith.extui %lt3A_93 : i1 to i32
      %cond3A_95 = arith.constant 0 : i32
      %cond3A_96 = arith.cmpi ne, %convert_element_type3A_94, %cond3A_95 : i32
      scf.if %cond3A_96 {
        %add3A_163 = arith.constant 3 : i32
        %add3A_164 = arith.addi %add3A_71, %add3A_163 : i32
        %mul3A_165 = arith.constant 128 : i32
        %mul3A_166 = arith.muli %add3A_164, %mul3A_165 : i32
        %add3A_167 = arith.addi %mul3A_2, %mul3A_166 : i32
        %dma_start3A_168 = arith.constant 0 : i32
        %dma_start3A_169 = tpu.memref_slice %arg2[%add3A_167, %dma_start3A_168] : memref<262144x32xf32, #tpu.memory_space<hbm>> -> memref<128x32xf32, #tpu.memory_space<hbm>>
        %dma_start3A_170 = arith.constant 0 : i32
        %dma_start3A_171 = tpu.memref_slice %arg2[%add3A_167, %dma_start3A_170] : memref<262144x32xf32, #tpu.memory_space<hbm>> -> memref<128x32xf32, #tpu.memory_space<hbm>>
        tpu.enqueue_dma source(%dma_start3A_171 : memref<128x32xf32, #tpu.memory_space<hbm>>) target(%arg6 : memref<128x32xf32, #tpu.memory_space<vmem>>) target_semaphore(%arg12 : memref<!tpu.dma_semaphore, #tpu.memory_space<semaphore_mem>>)
      } else {
      }
      %mul3A_97 = arith.constant 3 : i32
      %mul3A_98 = arith.muli %mul3A_97, %scan3A_67 : i32
      %add3A_99 = arith.constant 1 : i32
      %add3A_100 = arith.addi %mul3A_98, %add3A_99 : i32
      %gt3A_101 = arith.constant 0 : i32
      %gt3A_102 = arith.cmpi sgt, %scan3A_67, %gt3A_101 : i32
      %convert_element_type3A_103 = arith.extui %gt3A_102 : i1 to i32
      %cond3A_104 = arith.constant 0 : i32
      %cond3A_105 = arith.cmpi ne, %convert_element_type3A_103, %cond3A_104 : i32
      scf.if %cond3A_105 {
        %dma_wait3A_163 = arith.constant 0 : i32
        %dma_wait3A_164 = tpu.memref_slice %arg4[%mul3A_2, %dma_wait3A_163] : memref<262144x64xf32, #tpu.memory_space<hbm>> -> memref<128x64xf32, #tpu.memory_space<hbm>>
        %dma_wait3A_165 = arith.constant 0 : i32
        %dma_wait3A_166 = tpu.memref_slice %arg4[%mul3A_2, %dma_wait3A_165] : memref<262144x64xf32, #tpu.memory_space<hbm>> -> memref<128x64xf32, #tpu.memory_space<hbm>>
        tpu.wait_dma2 semaphore(%arg16 : memref<!tpu.dma_semaphore, #tpu.memory_space<semaphore_mem>>) src(%arg10 : memref<128x64xf32, #tpu.memory_space<vmem>>) dst(%dma_wait3A_166 : memref<128x64xf32, #tpu.memory_space<hbm>>)
      } else {
      }
      %dma_wait3A_106 = arith.constant 0 : i32
      %dma_wait3A_107 = tpu.memref_slice %arg2[%mul3A_2, %dma_wait3A_106] : memref<262144x32xf32, #tpu.memory_space<hbm>> -> memref<128x32xf32, #tpu.memory_space<hbm>>
      %dma_wait3A_108 = arith.constant 0 : i32
      %dma_wait3A_109 = tpu.memref_slice %arg2[%mul3A_2, %dma_wait3A_108] : memref<262144x32xf32, #tpu.memory_space<hbm>> -> memref<128x32xf32, #tpu.memory_space<hbm>>
      tpu.wait_dma2 semaphore(%arg13 : memref<!tpu.dma_semaphore, #tpu.memory_space<semaphore_mem>>) src(%dma_wait3A_109 : memref<128x32xf32, #tpu.memory_space<hbm>>) dst(%arg7 : memref<128x32xf32, #tpu.memory_space<vmem>>)
      %scan3A_110 = arith.constant 0 : i32
      %scan3A_111 = arith.constant 0 : i32
      %scan3A_112 = arith.constant 16 : i32
      %scan3A_113 = arith.addi %scan3A_111, %scan3A_112 : i32
      %scan3A_114 = arith.constant 1 : i32
      scf.for %scan3A_163 = %scan3A_111 to %scan3A_113 step %scan3A_114  : i32 {
        %mul3A_164 = arith.constant 8 : i32
        %mul3A_165 = arith.muli %scan3A_163, %mul3A_164 : i32
        %add3A_166 = arith.constant 0 : i32
        %add3A_167 = arith.addi %mul3A_165, %add3A_166 : i32
        %get3A_168 = arith.index_cast %add3A_167 : i32 to index
        %get3A_169 = arith.constant 0 : index
        %get3A_170 = tpu.vector_load %arg7[%get3A_168, %get3A_169] {strides = array<i32>} : memref<128x32xf32, #tpu.memory_space<vmem>>, vector<1x16xf32>,
        %get3A_171 = vector.shape_cast %get3A_170 : vector<1x16xf32> to vector<16xf32>
        %mul3A_172 = arith.constant 8 : i32
        %mul3A_173 = arith.muli %scan3A_163, %mul3A_172 : i32
        %add3A_174 = arith.constant 0 : i32
        %add3A_175 = arith.addi %mul3A_173, %add3A_174 : i32
        %swap3A = arith.index_cast %add3A_175 : i32 to index
        %swap3A_176 = arith.constant 0 : index
        %swap3A_177 = tpu.vector_load %arg10[%swap3A, %swap3A_176] {strides = array<i32>} : memref<128x64xf32, #tpu.memory_space<vmem>>, vector<1x16xf32>,
        %swap3A_178 = vector.shape_cast %swap3A_177 : vector<1x16xf32> to vector<16xf32>
        %swap3A_179 = vector.shape_cast %get3A_171 : vector<16xf32> to vector<1x16xf32>
        tpu.vector_store %arg10[%swap3A, %swap3A_176], %swap3A_179 {strides = array<i32>} : memref<128x64xf32, #tpu.memory_space<vmem>>, vector<1x16xf32>,
        %mul3A_180 = arith.constant 8 : i32
        %mul3A_181 = arith.muli %scan3A_163, %mul3A_180 : i32
        %add3A_182 = arith.constant 0 : i32
        %add3A_183 = arith.addi %mul3A_181, %add3A_182 : i32
        %get3A_184 = arith.index_cast %add3A_183 : i32 to index
        %get3A_185 = arith.constant 16 : index
        %get3A_186 = tpu.vector_load %arg7[%get3A_184, %get3A_185] {strides = array<i32>} : memref<128x32xf32, #tpu.memory_space<vmem>>, vector<1x16xf32>,
        %get3A_187 = vector.shape_cast %get3A_186 : vector<1x16xf32> to vector<16xf32>
        %mul3A_188 = arith.constant 8 : i32
        %mul3A_189 = arith.muli %scan3A_163, %mul3A_188 : i32
        %add3A_190 = arith.constant 0 : i32
        %add3A_191 = arith.addi %mul3A_189, %add3A_190 : i32
        %swap3A_192 = arith.index_cast %add3A_191 : i32 to index
        %swap3A_193 = arith.constant 16 : index
        %swap3A_194 = tpu.vector_load %arg10[%swap3A_192, %swap3A_193] {strides = array<i32>} : memref<128x64xf32, #tpu.memory_space<vmem>>, vector<1x16xf32>,
        %swap3A_195 = vector.shape_cast %swap3A_194 : vector<1x16xf32> to vector<16xf32>
        %swap3A_196 = vector.shape_cast %get3A_187 : vector<16xf32> to vector<1x16xf32>
        tpu.vector_store %arg10[%swap3A_192, %swap3A_193], %swap3A_196 {strides = array<i32>} : memref<128x64xf32, #tpu.memory_space<vmem>>, vector<1x16xf32>,
        %mul3A_197 = arith.constant 8 : i32
        %mul3A_198 = arith.muli %scan3A_163, %mul3A_197 : i32
        %add3A_199 = arith.constant 1 : i32
        %add3A_200 = arith.addi %mul3A_198, %add3A_199 : i32
        %get3A_201 = arith.index_cast %add3A_200 : i32 to index
        %get3A_202 = arith.constant 0 : index
        %get3A_203 = tpu.vector_load %arg7[%get3A_201, %get3A_202] {strides = array<i32>} : memref<128x32xf32, #tpu.memory_space<vmem>>, vector<1x16xf32>,
        %get3A_204 = vector.shape_cast %get3A_203 : vector<1x16xf32> to vector<16xf32>
        %mul3A_205 = arith.constant 8 : i32
        %mul3A_206 = arith.muli %scan3A_163, %mul3A_205 : i32
        %add3A_207 = arith.constant 1 : i32
        %add3A_208 = arith.addi %mul3A_206, %add3A_207 : i32
        %swap3A_209 = arith.index_cast %add3A_208 : i32 to index
        %swap3A_210 = arith.constant 0 : index
        %swap3A_211 = tpu.vector_load %arg10[%swap3A_209, %swap3A_210] {strides = array<i32>} : memref<128x64xf32, #tpu.memory_space<vmem>>, vector<1x16xf32>,
        %swap3A_212 = vector.shape_cast %swap3A_211 : vector<1x16xf32> to vector<16xf32>
        %swap3A_213 = vector.shape_cast %get3A_204 : vector<16xf32> to vector<1x16xf32>
        tpu.vector_store %arg10[%swap3A_209, %swap3A_210], %swap3A_213 {strides = array<i32>} : memref<128x64xf32, #tpu.memory_space<vmem>>, vector<1x16xf32>,
        %mul3A_214 = arith.constant 8 : i32
        %mul3A_215 = arith.muli %scan3A_163, %mul3A_214 : i32
        %add3A_216 = arith.constant 1 : i32
        %add3A_217 = arith.addi %mul3A_215, %add3A_216 : i32
        %get3A_218 = arith.index_cast %add3A_217 : i32 to index
        %get3A_219 = arith.constant 16 : index
        %get3A_220 = tpu.vector_load %arg7[%get3A_218, %get3A_219] {strides = array<i32>} : memref<128x32xf32, #tpu.memory_space<vmem>>, vector<1x16xf32>,
        %get3A_221 = vector.shape_cast %get3A_220 : vector<1x16xf32> to vector<16xf32>
        %mul3A_222 = arith.constant 8 : i32
        %mul3A_223 = arith.muli %scan3A_163, %mul3A_222 : i32
        %add3A_224 = arith.constant 1 : i32
        %add3A_225 = arith.addi %mul3A_223, %add3A_224 : i32
        %swap3A_226 = arith.index_cast %add3A_225 : i32 to index
        %swap3A_227 = arith.constant 16 : index
        %swap3A_228 = tpu.vector_load %arg10[%swap3A_226, %swap3A_227] {strides = array<i32>} : memref<128x64xf32, #tpu.memory_space<vmem>>, vector<1x16xf32>,
        %swap3A_229 = vector.shape_cast %swap3A_228 : vector<1x16xf32> to vector<16xf32>
        %swap3A_230 = vector.shape_cast %get3A_221 : vector<16xf32> to vector<1x16xf32>
        tpu.vector_store %arg10[%swap3A_226, %swap3A_227], %swap3A_230 {strides = array<i32>} : memref<128x64xf32, #tpu.memory_space<vmem>>, vector<1x16xf32>,
        %mul3A_231 = arith.constant 8 : i32
        %mul3A_232 = arith.muli %scan3A_163, %mul3A_231 : i32
        %add3A_233 = arith.constant 2 : i32
        %add3A_234 = arith.addi %mul3A_232, %add3A_233 : i32
        %get3A_235 = arith.index_cast %add3A_234 : i32 to index
        %get3A_236 = arith.constant 0 : index
        %get3A_237 = tpu.vector_load %arg7[%get3A_235, %get3A_236] {strides = array<i32>} : memref<128x32xf32, #tpu.memory_space<vmem>>, vector<1x16xf32>,
        %get3A_238 = vector.shape_cast %get3A_237 : vector<1x16xf32> to vector<16xf32>
        %mul3A_239 = arith.constant 8 : i32
        %mul3A_240 = arith.muli %scan3A_163, %mul3A_239 : i32
        %add3A_241 = arith.constant 2 : i32
        %add3A_242 = arith.addi %mul3A_240, %add3A_241 : i32
        %swap3A_243 = arith.index_cast %add3A_242 : i32 to index
        %swap3A_244 = arith.constant 0 : index
        %swap3A_245 = tpu.vector_load %arg10[%swap3A_243, %swap3A_244] {strides = array<i32>} : memref<128x64xf32, #tpu.memory_space<vmem>>, vector<1x16xf32>,
        %swap3A_246 = vector.shape_cast %swap3A_245 : vector<1x16xf32> to vector<16xf32>
        %swap3A_247 = vector.shape_cast %get3A_238 : vector<16xf32> to vector<1x16xf32>
        tpu.vector_store %arg10[%swap3A_243, %swap3A_244], %swap3A_247 {strides = array<i32>} : memref<128x64xf32, #tpu.memory_space<vmem>>, vector<1x16xf32>,
        %mul3A_248 = arith.constant 8 : i32
        %mul3A_249 = arith.muli %scan3A_163, %mul3A_248 : i32
        %add3A_250 = arith.constant 2 : i32
        %add3A_251 = arith.addi %mul3A_249, %add3A_250 : i32
        %get3A_252 = arith.index_cast %add3A_251 : i32 to index
        %get3A_253 = arith.constant 16 : index
        %get3A_254 = tpu.vector_load %arg7[%get3A_252, %get3A_253] {strides = array<i32>} : memref<128x32xf32, #tpu.memory_space<vmem>>, vector<1x16xf32>,
        %get3A_255 = vector.shape_cast %get3A_254 : vector<1x16xf32> to vector<16xf32>
        %mul3A_256 = arith.constant 8 : i32
        %mul3A_257 = arith.muli %scan3A_163, %mul3A_256 : i32
        %add3A_258 = arith.constant 2 : i32
        %add3A_259 = arith.addi %mul3A_257, %add3A_258 : i32
        %swap3A_260 = arith.index_cast %add3A_259 : i32 to index
        %swap3A_261 = arith.constant 16 : index
        %swap3A_262 = tpu.vector_load %arg10[%swap3A_260, %swap3A_261] {strides = array<i32>} : memref<128x64xf32, #tpu.memory_space<vmem>>, vector<1x16xf32>,
        %swap3A_263 = vector.shape_cast %swap3A_262 : vector<1x16xf32> to vector<16xf32>
        %swap3A_264 = vector.shape_cast %get3A_255 : vector<16xf32> to vector<1x16xf32>
        tpu.vector_store %arg10[%swap3A_260, %swap3A_261], %swap3A_264 {strides = array<i32>} : memref<128x64xf32, #tpu.memory_space<vmem>>, vector<1x16xf32>,
        %mul3A_265 = arith.constant 8 : i32
        %mul3A_266 = arith.muli %scan3A_163, %mul3A_265 : i32
        %add3A_267 = arith.constant 3 : i32
        %add3A_268 = arith.addi %mul3A_266, %add3A_267 : i32
        %get3A_269 = arith.index_cast %add3A_268 : i32 to index
        %get3A_270 = arith.constant 0 : index
        %get3A_271 = tpu.vector_load %arg7[%get3A_269, %get3A_270] {strides = array<i32>} : memref<128x32xf32, #tpu.memory_space<vmem>>, vector<1x16xf32>,
        %get3A_272 = vector.shape_cast %get3A_271 : vector<1x16xf32> to vector<16xf32>
        %mul3A_273 = arith.constant 8 : i32
        %mul3A_274 = arith.muli %scan3A_163, %mul3A_273 : i32
        %add3A_275 = arith.constant 3 : i32
        %add3A_276 = arith.addi %mul3A_274, %add3A_275 : i32
        %swap3A_277 = arith.index_cast %add3A_276 : i32 to index
        %swap3A_278 = arith.constant 0 : index
        %swap3A_279 = tpu.vector_load %arg10[%swap3A_277, %swap3A_278] {strides = array<i32>} : memref<128x64xf32, #tpu.memory_space<vmem>>, vector<1x16xf32>,
        %swap3A_280 = vector.shape_cast %swap3A_279 : vector<1x16xf32> to vector<16xf32>
        %swap3A_281 = vector.shape_cast %get3A_272 : vector<16xf32> to vector<1x16xf32>
        tpu.vector_store %arg10[%swap3A_277, %swap3A_278], %swap3A_281 {strides = array<i32>} : memref<128x64xf32, #tpu.memory_space<vmem>>, vector<1x16xf32>,
        %mul3A_282 = arith.constant 8 : i32
        %mul3A_283 = arith.muli %scan3A_163, %mul3A_282 : i32
        %add3A_284 = arith.constant 3 : i32
        %add3A_285 = arith.addi %mul3A_283, %add3A_284 : i32
        %get3A_286 = arith.index_cast %add3A_285 : i32 to index
        %get3A_287 = arith.constant 16 : index
        %get3A_288 = tpu.vector_load %arg7[%get3A_286, %get3A_287] {strides = array<i32>} : memref<128x32xf32, #tpu.memory_space<vmem>>, vector<1x16xf32>,
        %get3A_289 = vector.shape_cast %get3A_288 : vector<1x16xf32> to vector<16xf32>
        %mul3A_290 = arith.constant 8 : i32
        %mul3A_291 = arith.muli %scan3A_163, %mul3A_290 : i32
        %add3A_292 = arith.constant 3 : i32
        %add3A_293 = arith.addi %mul3A_291, %add3A_292 : i32
        %swap3A_294 = arith.index_cast %add3A_293 : i32 to index
        %swap3A_295 = arith.constant 16 : index
        %swap3A_296 = tpu.vector_load %arg10[%swap3A_294, %swap3A_295] {strides = array<i32>} : memref<128x64xf32, #tpu.memory_space<vmem>>, vector<1x16xf32>,
        %swap3A_297 = vector.shape_cast %swap3A_296 : vector<1x16xf32> to vector<16xf32>
        %swap3A_298 = vector.shape_cast %get3A_289 : vector<16xf32> to vector<1x16xf32>
        tpu.vector_store %arg10[%swap3A_294, %swap3A_295], %swap3A_298 {strides = array<i32>} : memref<128x64xf32, #tpu.memory_space<vmem>>, vector<1x16xf32>,
        %mul3A_299 = arith.constant 8 : i32
        %mul3A_300 = arith.muli %scan3A_163, %mul3A_299 : i32
        %add3A_301 = arith.constant 4 : i32
        %add3A_302 = arith.addi %mul3A_300, %add3A_301 : i32
        %get3A_303 = arith.index_cast %add3A_302 : i32 to index
        %get3A_304 = arith.constant 0 : index
        %get3A_305 = tpu.vector_load %arg7[%get3A_303, %get3A_304] {strides = array<i32>} : memref<128x32xf32, #tpu.memory_space<vmem>>, vector<1x16xf32>,
        %get3A_306 = vector.shape_cast %get3A_305 : vector<1x16xf32> to vector<16xf32>
        %mul3A_307 = arith.constant 8 : i32
        %mul3A_308 = arith.muli %scan3A_163, %mul3A_307 : i32
        %add3A_309 = arith.constant 4 : i32
        %add3A_310 = arith.addi %mul3A_308, %add3A_309 : i32
        %swap3A_311 = arith.index_cast %add3A_310 : i32 to index
        %swap3A_312 = arith.constant 0 : index
        %swap3A_313 = tpu.vector_load %arg10[%swap3A_311, %swap3A_312] {strides = array<i32>} : memref<128x64xf32, #tpu.memory_space<vmem>>, vector<1x16xf32>,
        %swap3A_314 = vector.shape_cast %swap3A_313 : vector<1x16xf32> to vector<16xf32>
        %swap3A_315 = vector.shape_cast %get3A_306 : vector<16xf32> to vector<1x16xf32>
        tpu.vector_store %arg10[%swap3A_311, %swap3A_312], %swap3A_315 {strides = array<i32>} : memref<128x64xf32, #tpu.memory_space<vmem>>, vector<1x16xf32>,
        %mul3A_316 = arith.constant 8 : i32
        %mul3A_317 = arith.muli %scan3A_163, %mul3A_316 : i32
        %add3A_318 = arith.constant 4 : i32
        %add3A_319 = arith.addi %mul3A_317, %add3A_318 : i32
        %get3A_320 = arith.index_cast %add3A_319 : i32 to index
        %get3A_321 = arith.constant 16 : index
        %get3A_322 = tpu.vector_load %arg7[%get3A_320, %get3A_321] {strides = array<i32>} : memref<128x32xf32, #tpu.memory_space<vmem>>, vector<1x16xf32>,
        %get3A_323 = vector.shape_cast %get3A_322 : vector<1x16xf32> to vector<16xf32>
        %mul3A_324 = arith.constant 8 : i32
        %mul3A_325 = arith.muli %scan3A_163, %mul3A_324 : i32
        %add3A_326 = arith.constant 4 : i32
        %add3A_327 = arith.addi %mul3A_325, %add3A_326 : i32
        %swap3A_328 = arith.index_cast %add3A_327 : i32 to index
        %swap3A_329 = arith.constant 16 : index
        %swap3A_330 = tpu.vector_load %arg10[%swap3A_328, %swap3A_329] {strides = array<i32>} : memref<128x64xf32, #tpu.memory_space<vmem>>, vector<1x16xf32>,
        %swap3A_331 = vector.shape_cast %swap3A_330 : vector<1x16xf32> to vector<16xf32>
        %swap3A_332 = vector.shape_cast %get3A_323 : vector<16xf32> to vector<1x16xf32>
        tpu.vector_store %arg10[%swap3A_328, %swap3A_329], %swap3A_332 {strides = array<i32>} : memref<128x64xf32, #tpu.memory_space<vmem>>, vector<1x16xf32>,
        %mul3A_333 = arith.constant 8 : i32
        %mul3A_334 = arith.muli %scan3A_163, %mul3A_333 : i32
        %add3A_335 = arith.constant 5 : i32
        %add3A_336 = arith.addi %mul3A_334, %add3A_335 : i32
        %get3A_337 = arith.index_cast %add3A_336 : i32 to index
        %get3A_338 = arith.constant 0 : index
        %get3A_339 = tpu.vector_load %arg7[%get3A_337, %get3A_338] {strides = array<i32>} : memref<128x32xf32, #tpu.memory_space<vmem>>, vector<1x16xf32>,
        %get3A_340 = vector.shape_cast %get3A_339 : vector<1x16xf32> to vector<16xf32>
        %mul3A_341 = arith.constant 8 : i32
        %mul3A_342 = arith.muli %scan3A_163, %mul3A_341 : i32
        %add3A_343 = arith.constant 5 : i32
        %add3A_344 = arith.addi %mul3A_342, %add3A_343 : i32
        %swap3A_345 = arith.index_cast %add3A_344 : i32 to index
        %swap3A_346 = arith.constant 0 : index
        %swap3A_347 = tpu.vector_load %arg10[%swap3A_345, %swap3A_346] {strides = array<i32>} : memref<128x64xf32, #tpu.memory_space<vmem>>, vector<1x16xf32>,
        %swap3A_348 = vector.shape_cast %swap3A_347 : vector<1x16xf32> to vector<16xf32>
        %swap3A_349 = vector.shape_cast %get3A_340 : vector<16xf32> to vector<1x16xf32>
        tpu.vector_store %arg10[%swap3A_345, %swap3A_346], %swap3A_349 {strides = array<i32>} : memref<128x64xf32, #tpu.memory_space<vmem>>, vector<1x16xf32>,
        %mul3A_350 = arith.constant 8 : i32
        %mul3A_351 = arith.muli %scan3A_163, %mul3A_350 : i32
        %add3A_352 = arith.constant 5 : i32
        %add3A_353 = arith.addi %mul3A_351, %add3A_352 : i32
        %get3A_354 = arith.index_cast %add3A_353 : i32 to index
        %get3A_355 = arith.constant 16 : index
        %get3A_356 = tpu.vector_load %arg7[%get3A_354, %get3A_355] {strides = array<i32>} : memref<128x32xf32, #tpu.memory_space<vmem>>, vector<1x16xf32>,
        %get3A_357 = vector.shape_cast %get3A_356 : vector<1x16xf32> to vector<16xf32>
        %mul3A_358 = arith.constant 8 : i32
        %mul3A_359 = arith.muli %scan3A_163, %mul3A_358 : i32
        %add3A_360 = arith.constant 5 : i32
        %add3A_361 = arith.addi %mul3A_359, %add3A_360 : i32
        %swap3A_362 = arith.index_cast %add3A_361 : i32 to index
        %swap3A_363 = arith.constant 16 : index
        %swap3A_364 = tpu.vector_load %arg10[%swap3A_362, %swap3A_363] {strides = array<i32>} : memref<128x64xf32, #tpu.memory_space<vmem>>, vector<1x16xf32>,
        %swap3A_365 = vector.shape_cast %swap3A_364 : vector<1x16xf32> to vector<16xf32>
        %swap3A_366 = vector.shape_cast %get3A_357 : vector<16xf32> to vector<1x16xf32>
        tpu.vector_store %arg10[%swap3A_362, %swap3A_363], %swap3A_366 {strides = array<i32>} : memref<128x64xf32, #tpu.memory_space<vmem>>, vector<1x16xf32>,
        %mul3A_367 = arith.constant 8 : i32
        %mul3A_368 = arith.muli %scan3A_163, %mul3A_367 : i32
        %add3A_369 = arith.constant 6 : i32
        %add3A_370 = arith.addi %mul3A_368, %add3A_369 : i32
        %get3A_371 = arith.index_cast %add3A_370 : i32 to index
        %get3A_372 = arith.constant 0 : index
        %get3A_373 = tpu.vector_load %arg7[%get3A_371, %get3A_372] {strides = array<i32>} : memref<128x32xf32, #tpu.memory_space<vmem>>, vector<1x16xf32>,
        %get3A_374 = vector.shape_cast %get3A_373 : vector<1x16xf32> to vector<16xf32>
        %mul3A_375 = arith.constant 8 : i32
        %mul3A_376 = arith.muli %scan3A_163, %mul3A_375 : i32
        %add3A_377 = arith.constant 6 : i32
        %add3A_378 = arith.addi %mul3A_376, %add3A_377 : i32
        %swap3A_379 = arith.index_cast %add3A_378 : i32 to index
        %swap3A_380 = arith.constant 0 : index
        %swap3A_381 = tpu.vector_load %arg10[%swap3A_379, %swap3A_380] {strides = array<i32>} : memref<128x64xf32, #tpu.memory_space<vmem>>, vector<1x16xf32>,
        %swap3A_382 = vector.shape_cast %swap3A_381 : vector<1x16xf32> to vector<16xf32>
        %swap3A_383 = vector.shape_cast %get3A_374 : vector<16xf32> to vector<1x16xf32>
        tpu.vector_store %arg10[%swap3A_379, %swap3A_380], %swap3A_383 {strides = array<i32>} : memref<128x64xf32, #tpu.memory_space<vmem>>, vector<1x16xf32>,
        %mul3A_384 = arith.constant 8 : i32
        %mul3A_385 = arith.muli %scan3A_163, %mul3A_384 : i32
        %add3A_386 = arith.constant 6 : i32
        %add3A_387 = arith.addi %mul3A_385, %add3A_386 : i32
        %get3A_388 = arith.index_cast %add3A_387 : i32 to index
        %get3A_389 = arith.constant 16 : index
        %get3A_390 = tpu.vector_load %arg7[%get3A_388, %get3A_389] {strides = array<i32>} : memref<128x32xf32, #tpu.memory_space<vmem>>, vector<1x16xf32>,
        %get3A_391 = vector.shape_cast %get3A_390 : vector<1x16xf32> to vector<16xf32>
        %mul3A_392 = arith.constant 8 : i32
        %mul3A_393 = arith.muli %scan3A_163, %mul3A_392 : i32
        %add3A_394 = arith.constant 6 : i32
        %add3A_395 = arith.addi %mul3A_393, %add3A_394 : i32
        %swap3A_396 = arith.index_cast %add3A_395 : i32 to index
        %swap3A_397 = arith.constant 16 : index
        %swap3A_398 = tpu.vector_load %arg10[%swap3A_396, %swap3A_397] {strides = array<i32>} : memref<128x64xf32, #tpu.memory_space<vmem>>, vector<1x16xf32>,
        %swap3A_399 = vector.shape_cast %swap3A_398 : vector<1x16xf32> to vector<16xf32>
        %swap3A_400 = vector.shape_cast %get3A_391 : vector<16xf32> to vector<1x16xf32>
        tpu.vector_store %arg10[%swap3A_396, %swap3A_397], %swap3A_400 {strides = array<i32>} : memref<128x64xf32, #tpu.memory_space<vmem>>, vector<1x16xf32>,
        %mul3A_401 = arith.constant 8 : i32
        %mul3A_402 = arith.muli %scan3A_163, %mul3A_401 : i32
        %add3A_403 = arith.constant 7 : i32
        %add3A_404 = arith.addi %mul3A_402, %add3A_403 : i32
        %get3A_405 = arith.index_cast %add3A_404 : i32 to index
        %get3A_406 = arith.constant 0 : index
        %get3A_407 = tpu.vector_load %arg7[%get3A_405, %get3A_406] {strides = array<i32>} : memref<128x32xf32, #tpu.memory_space<vmem>>, vector<1x16xf32>,
        %get3A_408 = vector.shape_cast %get3A_407 : vector<1x16xf32> to vector<16xf32>
        %mul3A_409 = arith.constant 8 : i32
        %mul3A_410 = arith.muli %scan3A_163, %mul3A_409 : i32
        %add3A_411 = arith.constant 7 : i32
        %add3A_412 = arith.addi %mul3A_410, %add3A_411 : i32
        %swap3A_413 = arith.index_cast %add3A_412 : i32 to index
        %swap3A_414 = arith.constant 0 : index
        %swap3A_415 = tpu.vector_load %arg10[%swap3A_413, %swap3A_414] {strides = array<i32>} : memref<128x64xf32, #tpu.memory_space<vmem>>, vector<1x16xf32>,
        %swap3A_416 = vector.shape_cast %swap3A_415 : vector<1x16xf32> to vector<16xf32>
        %swap3A_417 = vector.shape_cast %get3A_408 : vector<16xf32> to vector<1x16xf32>
        tpu.vector_store %arg10[%swap3A_413, %swap3A_414], %swap3A_417 {strides = array<i32>} : memref<128x64xf32, #tpu.memory_space<vmem>>, vector<1x16xf32>,
        %mul3A_418 = arith.constant 8 : i32
        %mul3A_419 = arith.muli %scan3A_163, %mul3A_418 : i32
        %add3A_420 = arith.constant 7 : i32
        %add3A_421 = arith.addi %mul3A_419, %add3A_420 : i32
        %get3A_422 = arith.index_cast %add3A_421 : i32 to index
        %get3A_423 = arith.constant 16 : index
        %get3A_424 = tpu.vector_load %arg7[%get3A_422, %get3A_423] {strides = array<i32>} : memref<128x32xf32, #tpu.memory_space<vmem>>, vector<1x16xf32>,
        %get3A_425 = vector.shape_cast %get3A_424 : vector<1x16xf32> to vector<16xf32>
        %mul3A_426 = arith.constant 8 : i32
        %mul3A_427 = arith.muli %scan3A_163, %mul3A_426 : i32
        %add3A_428 = arith.constant 7 : i32
        %add3A_429 = arith.addi %mul3A_427, %add3A_428 : i32
        %swap3A_430 = arith.index_cast %add3A_429 : i32 to index
        %swap3A_431 = arith.constant 16 : index
        %swap3A_432 = tpu.vector_load %arg10[%swap3A_430, %swap3A_431] {strides = array<i32>} : memref<128x64xf32, #tpu.memory_space<vmem>>, vector<1x16xf32>,
        %swap3A_433 = vector.shape_cast %swap3A_432 : vector<1x16xf32> to vector<16xf32>
        %swap3A_434 = vector.shape_cast %get3A_425 : vector<16xf32> to vector<1x16xf32>
        tpu.vector_store %arg10[%swap3A_430, %swap3A_431], %swap3A_434 {strides = array<i32>} : memref<128x64xf32, #tpu.memory_space<vmem>>, vector<1x16xf32>,
      }
      %scan3A_115 = arith.constant 16 : i32
      %mul3A_116 = arith.constant 128 : i32
      %mul3A_117 = arith.muli %add3A_100, %mul3A_116 : i32
      %add3A_118 = arith.addi %mul3A_2, %mul3A_117 : i32
      %dma_start3A_119 = arith.constant 0 : i32
      %dma_start3A_120 = tpu.memref_slice %arg4[%add3A_118, %dma_start3A_119] : memref<262144x64xf32, #tpu.memory_space<hbm>> -> memref<128x64xf32, #tpu.memory_space<hbm>>
      %dma_start3A_121 = arith.constant 0 : i32
      %dma_start3A_122 = tpu.memref_slice %arg4[%add3A_118, %dma_start3A_121] : memref<262144x64xf32, #tpu.memory_space<hbm>> -> memref<128x64xf32, #tpu.memory_space<hbm>>
      tpu.enqueue_dma source(%arg10 : memref<128x64xf32, #tpu.memory_space<vmem>>) target(%dma_start3A_122 : memref<128x64xf32, #tpu.memory_space<hbm>>) target_semaphore(%arg16 : memref<!tpu.dma_semaphore, #tpu.memory_space<semaphore_mem>>)
      %add3A_123 = arith.constant 3 : i32
      %add3A_124 = arith.addi %add3A_100, %add3A_123 : i32
      %lt3A_125 = arith.constant 64 : i32
      %lt3A_126 = arith.cmpi slt, %add3A_124, %lt3A_125 : i32
      %convert_element_type3A_127 = arith.extui %lt3A_126 : i1 to i32
      %cond3A_128 = arith.constant 0 : i32
      %cond3A_129 = arith.cmpi ne, %convert_element_type3A_127, %cond3A_128 : i32
      scf.if %cond3A_129 {
        %add3A_163 = arith.constant 3 : i32
        %add3A_164 = arith.addi %add3A_100, %add3A_163 : i32
        %mul3A_165 = arith.constant 128 : i32
        %mul3A_166 = arith.muli %add3A_164, %mul3A_165 : i32
        %add3A_167 = arith.addi %mul3A_2, %mul3A_166 : i32
        %dma_start3A_168 = arith.constant 0 : i32
        %dma_start3A_169 = tpu.memref_slice %arg2[%add3A_167, %dma_start3A_168] : memref<262144x32xf32, #tpu.memory_space<hbm>> -> memref<128x32xf32, #tpu.memory_space<hbm>>
        %dma_start3A_170 = arith.constant 0 : i32
        %dma_start3A_171 = tpu.memref_slice %arg2[%add3A_167, %dma_start3A_170] : memref<262144x32xf32, #tpu.memory_space<hbm>> -> memref<128x32xf32, #tpu.memory_space<hbm>>
        tpu.enqueue_dma source(%dma_start3A_171 : memref<128x32xf32, #tpu.memory_space<hbm>>) target(%arg7 : memref<128x32xf32, #tpu.memory_space<vmem>>) target_semaphore(%arg13 : memref<!tpu.dma_semaphore, #tpu.memory_space<semaphore_mem>>)
      } else {
      }
      %mul3A_130 = arith.constant 3 : i32
      %mul3A_131 = arith.muli %mul3A_130, %scan3A_67 : i32
      %add3A_132 = arith.constant 2 : i32
      %add3A_133 = arith.addi %mul3A_131, %add3A_132 : i32
      %gt3A_134 = arith.constant 0 : i32
      %gt3A_135 = arith.cmpi sgt, %scan3A_67, %gt3A_134 : i32
      %convert_element_type3A_136 = arith.extui %gt3A_135 : i1 to i32
      %cond3A_137 = arith.constant 0 : i32
      %cond3A_138 = arith.cmpi ne, %convert_element_type3A_136, %cond3A_137 : i32
      scf.if %cond3A_138 {
        %dma_wait3A_163 = arith.constant 0 : i32
        %dma_wait3A_164 = tpu.memref_slice %arg4[%mul3A_2, %dma_wait3A_163] : memref<262144x64xf32, #tpu.memory_space<hbm>> -> memref<128x64xf32, #tpu.memory_space<hbm>>
        %dma_wait3A_165 = arith.constant 0 : i32
        %dma_wait3A_166 = tpu.memref_slice %arg4[%mul3A_2, %dma_wait3A_165] : memref<262144x64xf32, #tpu.memory_space<hbm>> -> memref<128x64xf32, #tpu.memory_space<hbm>>
        tpu.wait_dma2 semaphore(%arg17 : memref<!tpu.dma_semaphore, #tpu.memory_space<semaphore_mem>>) src(%arg11 : memref<128x64xf32, #tpu.memory_space<vmem>>) dst(%dma_wait3A_166 : memref<128x64xf32, #tpu.memory_space<hbm>>)
      } else {
      }
      %dma_wait3A_139 = arith.constant 0 : i32
      %dma_wait3A_140 = tpu.memref_slice %arg2[%mul3A_2, %dma_wait3A_139] : memref<262144x32xf32, #tpu.memory_space<hbm>> -> memref<128x32xf32, #tpu.memory_space<hbm>>
      %dma_wait3A_141 = arith.constant 0 : i32
      %dma_wait3A_142 = tpu.memref_slice %arg2[%mul3A_2, %dma_wait3A_141] : memref<262144x32xf32, #tpu.memory_space<hbm>> -> memref<128x32xf32, #tpu.memory_space<hbm>>
      tpu.wait_dma2 semaphore(%arg14 : memref<!tpu.dma_semaphore, #tpu.memory_space<semaphore_mem>>) src(%dma_wait3A_142 : memref<128x32xf32, #tpu.memory_space<hbm>>) dst(%arg8 : memref<128x32xf32, #tpu.memory_space<vmem>>)
      %scan3A_143 = arith.constant 0 : i32
      %scan3A_144 = arith.constant 0 : i32
      %scan3A_145 = arith.constant 16 : i32
      %scan3A_146 = arith.addi %scan3A_144, %scan3A_145 : i32
      %scan3A_147 = arith.constant 1 : i32
      scf.for %scan3A_163 = %scan3A_144 to %scan3A_146 step %scan3A_147  : i32 {
        %mul3A_164 = arith.constant 8 : i32
        %mul3A_165 = arith.muli %scan3A_163, %mul3A_164 : i32
        %add3A_166 = arith.constant 0 : i32
        %add3A_167 = arith.addi %mul3A_165, %add3A_166 : i32
        %get3A_168 = arith.index_cast %add3A_167 : i32 to index
        %get3A_169 = arith.constant 0 : index
        %get3A_170 = tpu.vector_load %arg8[%get3A_168, %get3A_169] {strides = array<i32>} : memref<128x32xf32, #tpu.memory_space<vmem>>, vector<1x16xf32>,
        %get3A_171 = vector.shape_cast %get3A_170 : vector<1x16xf32> to vector<16xf32>
        %mul3A_172 = arith.constant 8 : i32
        %mul3A_173 = arith.muli %scan3A_163, %mul3A_172 : i32
        %add3A_174 = arith.constant 0 : i32
        %add3A_175 = arith.addi %mul3A_173, %add3A_174 : i32
        %swap3A = arith.index_cast %add3A_175 : i32 to index
        %swap3A_176 = arith.constant 0 : index
        %swap3A_177 = tpu.vector_load %arg11[%swap3A, %swap3A_176] {strides = array<i32>} : memref<128x64xf32, #tpu.memory_space<vmem>>, vector<1x16xf32>,
        %swap3A_178 = vector.shape_cast %swap3A_177 : vector<1x16xf32> to vector<16xf32>
        %swap3A_179 = vector.shape_cast %get3A_171 : vector<16xf32> to vector<1x16xf32>
        tpu.vector_store %arg11[%swap3A, %swap3A_176], %swap3A_179 {strides = array<i32>} : memref<128x64xf32, #tpu.memory_space<vmem>>, vector<1x16xf32>,
        %mul3A_180 = arith.constant 8 : i32
        %mul3A_181 = arith.muli %scan3A_163, %mul3A_180 : i32
        %add3A_182 = arith.constant 0 : i32
        %add3A_183 = arith.addi %mul3A_181, %add3A_182 : i32
        %get3A_184 = arith.index_cast %add3A_183 : i32 to index
        %get3A_185 = arith.constant 16 : index
        %get3A_186 = tpu.vector_load %arg8[%get3A_184, %get3A_185] {strides = array<i32>} : memref<128x32xf32, #tpu.memory_space<vmem>>, vector<1x16xf32>,
        %get3A_187 = vector.shape_cast %get3A_186 : vector<1x16xf32> to vector<16xf32>
        %mul3A_188 = arith.constant 8 : i32
        %mul3A_189 = arith.muli %scan3A_163, %mul3A_188 : i32
        %add3A_190 = arith.constant 0 : i32
        %add3A_191 = arith.addi %mul3A_189, %add3A_190 : i32
        %swap3A_192 = arith.index_cast %add3A_191 : i32 to index
        %swap3A_193 = arith.constant 16 : index
        %swap3A_194 = tpu.vector_load %arg11[%swap3A_192, %swap3A_193] {strides = array<i32>} : memref<128x64xf32, #tpu.memory_space<vmem>>, vector<1x16xf32>,
        %swap3A_195 = vector.shape_cast %swap3A_194 : vector<1x16xf32> to vector<16xf32>
        %swap3A_196 = vector.shape_cast %get3A_187 : vector<16xf32> to vector<1x16xf32>
        tpu.vector_store %arg11[%swap3A_192, %swap3A_193], %swap3A_196 {strides = array<i32>} : memref<128x64xf32, #tpu.memory_space<vmem>>, vector<1x16xf32>,
        %mul3A_197 = arith.constant 8 : i32
        %mul3A_198 = arith.muli %scan3A_163, %mul3A_197 : i32
        %add3A_199 = arith.constant 1 : i32
        %add3A_200 = arith.addi %mul3A_198, %add3A_199 : i32
        %get3A_201 = arith.index_cast %add3A_200 : i32 to index
        %get3A_202 = arith.constant 0 : index
        %get3A_203 = tpu.vector_load %arg8[%get3A_201, %get3A_202] {strides = array<i32>} : memref<128x32xf32, #tpu.memory_space<vmem>>, vector<1x16xf32>,
        %get3A_204 = vector.shape_cast %get3A_203 : vector<1x16xf32> to vector<16xf32>
        %mul3A_205 = arith.constant 8 : i32
        %mul3A_206 = arith.muli %scan3A_163, %mul3A_205 : i32
        %add3A_207 = arith.constant 1 : i32
        %add3A_208 = arith.addi %mul3A_206, %add3A_207 : i32
        %swap3A_209 = arith.index_cast %add3A_208 : i32 to index
        %swap3A_210 = arith.constant 0 : index
        %swap3A_211 = tpu.vector_load %arg11[%swap3A_209, %swap3A_210] {strides = array<i32>} : memref<128x64xf32, #tpu.memory_space<vmem>>, vector<1x16xf32>,
        %swap3A_212 = vector.shape_cast %swap3A_211 : vector<1x16xf32> to vector<16xf32>
        %swap3A_213 = vector.shape_cast %get3A_204 : vector<16xf32> to vector<1x16xf32>
        tpu.vector_store %arg11[%swap3A_209, %swap3A_210], %swap3A_213 {strides = array<i32>} : memref<128x64xf32, #tpu.memory_space<vmem>>, vector<1x16xf32>,
        %mul3A_214 = arith.constant 8 : i32
        %mul3A_215 = arith.muli %scan3A_163, %mul3A_214 : i32
        %add3A_216 = arith.constant 1 : i32
        %add3A_217 = arith.addi %mul3A_215, %add3A_216 : i32
        %get3A_218 = arith.index_cast %add3A_217 : i32 to index
        %get3A_219 = arith.constant 16 : index
        %get3A_220 = tpu.vector_load %arg8[%get3A_218, %get3A_219] {strides = array<i32>} : memref<128x32xf32, #tpu.memory_space<vmem>>, vector<1x16xf32>,
        %get3A_221 = vector.shape_cast %get3A_220 : vector<1x16xf32> to vector<16xf32>
        %mul3A_222 = arith.constant 8 : i32
        %mul3A_223 = arith.muli %scan3A_163, %mul3A_222 : i32
        %add3A_224 = arith.constant 1 : i32
        %add3A_225 = arith.addi %mul3A_223, %add3A_224 : i32
        %swap3A_226 = arith.index_cast %add3A_225 : i32 to index
        %swap3A_227 = arith.constant 16 : index
        %swap3A_228 = tpu.vector_load %arg11[%swap3A_226, %swap3A_227] {strides = array<i32>} : memref<128x64xf32, #tpu.memory_space<vmem>>, vector<1x16xf32>,
        %swap3A_229 = vector.shape_cast %swap3A_228 : vector<1x16xf32> to vector<16xf32>
        %swap3A_230 = vector.shape_cast %get3A_221 : vector<16xf32> to vector<1x16xf32>
        tpu.vector_store %arg11[%swap3A_226, %swap3A_227], %swap3A_230 {strides = array<i32>} : memref<128x64xf32, #tpu.memory_space<vmem>>, vector<1x16xf32>,
        %mul3A_231 = arith.constant 8 : i32
        %mul3A_232 = arith.muli %scan3A_163, %mul3A_231 : i32
        %add3A_233 = arith.constant 2 : i32
        %add3A_234 = arith.addi %mul3A_232, %add3A_233 : i32
        %get3A_235 = arith.index_cast %add3A_234 : i32 to index
        %get3A_236 = arith.constant 0 : index
        %get3A_237 = tpu.vector_load %arg8[%get3A_235, %get3A_236] {strides = array<i32>} : memref<128x32xf32, #tpu.memory_space<vmem>>, vector<1x16xf32>,
        %get3A_238 = vector.shape_cast %get3A_237 : vector<1x16xf32> to vector<16xf32>
        %mul3A_239 = arith.constant 8 : i32
        %mul3A_240 = arith.muli %scan3A_163, %mul3A_239 : i32
        %add3A_241 = arith.constant 2 : i32
        %add3A_242 = arith.addi %mul3A_240, %add3A_241 : i32
        %swap3A_243 = arith.index_cast %add3A_242 : i32 to index
        %swap3A_244 = arith.constant 0 : index
        %swap3A_245 = tpu.vector_load %arg11[%swap3A_243, %swap3A_244] {strides = array<i32>} : memref<128x64xf32, #tpu.memory_space<vmem>>, vector<1x16xf32>,
        %swap3A_246 = vector.shape_cast %swap3A_245 : vector<1x16xf32> to vector<16xf32>
        %swap3A_247 = vector.shape_cast %get3A_238 : vector<16xf32> to vector<1x16xf32>
        tpu.vector_store %arg11[%swap3A_243, %swap3A_244], %swap3A_247 {strides = array<i32>} : memref<128x64xf32, #tpu.memory_space<vmem>>, vector<1x16xf32>,
        %mul3A_248 = arith.constant 8 : i32
        %mul3A_249 = arith.muli %scan3A_163, %mul3A_248 : i32
        %add3A_250 = arith.constant 2 : i32
        %add3A_251 = arith.addi %mul3A_249, %add3A_250 : i32
        %get3A_252 = arith.index_cast %add3A_251 : i32 to index
        %get3A_253 = arith.constant 16 : index
        %get3A_254 = tpu.vector_load %arg8[%get3A_252, %get3A_253] {strides = array<i32>} : memref<128x32xf32, #tpu.memory_space<vmem>>, vector<1x16xf32>,
        %get3A_255 = vector.shape_cast %get3A_254 : vector<1x16xf32> to vector<16xf32>
        %mul3A_256 = arith.constant 8 : i32
        %mul3A_257 = arith.muli %scan3A_163, %mul3A_256 : i32
        %add3A_258 = arith.constant 2 : i32
        %add3A_259 = arith.addi %mul3A_257, %add3A_258 : i32
        %swap3A_260 = arith.index_cast %add3A_259 : i32 to index
        %swap3A_261 = arith.constant 16 : index
        %swap3A_262 = tpu.vector_load %arg11[%swap3A_260, %swap3A_261] {strides = array<i32>} : memref<128x64xf32, #tpu.memory_space<vmem>>, vector<1x16xf32>,
        %swap3A_263 = vector.shape_cast %swap3A_262 : vector<1x16xf32> to vector<16xf32>
        %swap3A_264 = vector.shape_cast %get3A_255 : vector<16xf32> to vector<1x16xf32>
        tpu.vector_store %arg11[%swap3A_260, %swap3A_261], %swap3A_264 {strides = array<i32>} : memref<128x64xf32, #tpu.memory_space<vmem>>, vector<1x16xf32>,
        %mul3A_265 = arith.constant 8 : i32
        %mul3A_266 = arith.muli %scan3A_163, %mul3A_265 : i32
        %add3A_267 = arith.constant 3 : i32
        %add3A_268 = arith.addi %mul3A_266, %add3A_267 : i32
        %get3A_269 = arith.index_cast %add3A_268 : i32 to index
        %get3A_270 = arith.constant 0 : index
        %get3A_271 = tpu.vector_load %arg8[%get3A_269, %get3A_270] {strides = array<i32>} : memref<128x32xf32, #tpu.memory_space<vmem>>, vector<1x16xf32>,
        %get3A_272 = vector.shape_cast %get3A_271 : vector<1x16xf32> to vector<16xf32>
        %mul3A_273 = arith.constant 8 : i32
        %mul3A_274 = arith.muli %scan3A_163, %mul3A_273 : i32
        %add3A_275 = arith.constant 3 : i32
        %add3A_276 = arith.addi %mul3A_274, %add3A_275 : i32
        %swap3A_277 = arith.index_cast %add3A_276 : i32 to index
        %swap3A_278 = arith.constant 0 : index
        %swap3A_279 = tpu.vector_load %arg11[%swap3A_277, %swap3A_278] {strides = array<i32>} : memref<128x64xf32, #tpu.memory_space<vmem>>, vector<1x16xf32>,
        %swap3A_280 = vector.shape_cast %swap3A_279 : vector<1x16xf32> to vector<16xf32>
        %swap3A_281 = vector.shape_cast %get3A_272 : vector<16xf32> to vector<1x16xf32>
        tpu.vector_store %arg11[%swap3A_277, %swap3A_278], %swap3A_281 {strides = array<i32>} : memref<128x64xf32, #tpu.memory_space<vmem>>, vector<1x16xf32>,
        %mul3A_282 = arith.constant 8 : i32
        %mul3A_283 = arith.muli %scan3A_163, %mul3A_282 : i32
        %add3A_284 = arith.constant 3 : i32
        %add3A_285 = arith.addi %mul3A_283, %add3A_284 : i32
        %get3A_286 = arith.index_cast %add3A_285 : i32 to index
        %get3A_287 = arith.constant 16 : index
        %get3A_288 = tpu.vector_load %arg8[%get3A_286, %get3A_287] {strides = array<i32>} : memref<128x32xf32, #tpu.memory_space<vmem>>, vector<1x16xf32>,
        %get3A_289 = vector.shape_cast %get3A_288 : vector<1x16xf32> to vector<16xf32>
        %mul3A_290 = arith.constant 8 : i32
        %mul3A_291 = arith.muli %scan3A_163, %mul3A_290 : i32
        %add3A_292 = arith.constant 3 : i32
        %add3A_293 = arith.addi %mul3A_291, %add3A_292 : i32
        %swap3A_294 = arith.index_cast %add3A_293 : i32 to index
        %swap3A_295 = arith.constant 16 : index
        %swap3A_296 = tpu.vector_load %arg11[%swap3A_294, %swap3A_295] {strides = array<i32>} : memref<128x64xf32, #tpu.memory_space<vmem>>, vector<1x16xf32>,
        %swap3A_297 = vector.shape_cast %swap3A_296 : vector<1x16xf32> to vector<16xf32>
        %swap3A_298 = vector.shape_cast %get3A_289 : vector<16xf32> to vector<1x16xf32>
        tpu.vector_store %arg11[%swap3A_294, %swap3A_295], %swap3A_298 {strides = array<i32>} : memref<128x64xf32, #tpu.memory_space<vmem>>, vector<1x16xf32>,
        %mul3A_299 = arith.constant 8 : i32
        %mul3A_300 = arith.muli %scan3A_163, %mul3A_299 : i32
        %add3A_301 = arith.constant 4 : i32
        %add3A_302 = arith.addi %mul3A_300, %add3A_301 : i32
        %get3A_303 = arith.index_cast %add3A_302 : i32 to index
        %get3A_304 = arith.constant 0 : index
        %get3A_305 = tpu.vector_load %arg8[%get3A_303, %get3A_304] {strides = array<i32>} : memref<128x32xf32, #tpu.memory_space<vmem>>, vector<1x16xf32>,
        %get3A_306 = vector.shape_cast %get3A_305 : vector<1x16xf32> to vector<16xf32>
        %mul3A_307 = arith.constant 8 : i32
        %mul3A_308 = arith.muli %scan3A_163, %mul3A_307 : i32
        %add3A_309 = arith.constant 4 : i32
        %add3A_310 = arith.addi %mul3A_308, %add3A_309 : i32
        %swap3A_311 = arith.index_cast %add3A_310 : i32 to index
        %swap3A_312 = arith.constant 0 : index
        %swap3A_313 = tpu.vector_load %arg11[%swap3A_311, %swap3A_312] {strides = array<i32>} : memref<128x64xf32, #tpu.memory_space<vmem>>, vector<1x16xf32>,
        %swap3A_314 = vector.shape_cast %swap3A_313 : vector<1x16xf32> to vector<16xf32>
        %swap3A_315 = vector.shape_cast %get3A_306 : vector<16xf32> to vector<1x16xf32>
        tpu.vector_store %arg11[%swap3A_311, %swap3A_312], %swap3A_315 {strides = array<i32>} : memref<128x64xf32, #tpu.memory_space<vmem>>, vector<1x16xf32>,
        %mul3A_316 = arith.constant 8 : i32
        %mul3A_317 = arith.muli %scan3A_163, %mul3A_316 : i32
        %add3A_318 = arith.constant 4 : i32
        %add3A_319 = arith.addi %mul3A_317, %add3A_318 : i32
        %get3A_320 = arith.index_cast %add3A_319 : i32 to index
        %get3A_321 = arith.constant 16 : index
        %get3A_322 = tpu.vector_load %arg8[%get3A_320, %get3A_321] {strides = array<i32>} : memref<128x32xf32, #tpu.memory_space<vmem>>, vector<1x16xf32>,
        %get3A_323 = vector.shape_cast %get3A_322 : vector<1x16xf32> to vector<16xf32>
        %mul3A_324 = arith.constant 8 : i32
        %mul3A_325 = arith.muli %scan3A_163, %mul3A_324 : i32
        %add3A_326 = arith.constant 4 : i32
        %add3A_327 = arith.addi %mul3A_325, %add3A_326 : i32
        %swap3A_328 = arith.index_cast %add3A_327 : i32 to index
        %swap3A_329 = arith.constant 16 : index
        %swap3A_330 = tpu.vector_load %arg11[%swap3A_328, %swap3A_329] {strides = array<i32>} : memref<128x64xf32, #tpu.memory_space<vmem>>, vector<1x16xf32>,
        %swap3A_331 = vector.shape_cast %swap3A_330 : vector<1x16xf32> to vector<16xf32>
        %swap3A_332 = vector.shape_cast %get3A_323 : vector<16xf32> to vector<1x16xf32>
        tpu.vector_store %arg11[%swap3A_328, %swap3A_329], %swap3A_332 {strides = array<i32>} : memref<128x64xf32, #tpu.memory_space<vmem>>, vector<1x16xf32>,
        %mul3A_333 = arith.constant 8 : i32
        %mul3A_334 = arith.muli %scan3A_163, %mul3A_333 : i32
        %add3A_335 = arith.constant 5 : i32
        %add3A_336 = arith.addi %mul3A_334, %add3A_335 : i32
        %get3A_337 = arith.index_cast %add3A_336 : i32 to index
        %get3A_338 = arith.constant 0 : index
        %get3A_339 = tpu.vector_load %arg8[%get3A_337, %get3A_338] {strides = array<i32>} : memref<128x32xf32, #tpu.memory_space<vmem>>, vector<1x16xf32>,
        %get3A_340 = vector.shape_cast %get3A_339 : vector<1x16xf32> to vector<16xf32>
        %mul3A_341 = arith.constant 8 : i32
        %mul3A_342 = arith.muli %scan3A_163, %mul3A_341 : i32
        %add3A_343 = arith.constant 5 : i32
        %add3A_344 = arith.addi %mul3A_342, %add3A_343 : i32
        %swap3A_345 = arith.index_cast %add3A_344 : i32 to index
        %swap3A_346 = arith.constant 0 : index
        %swap3A_347 = tpu.vector_load %arg11[%swap3A_345, %swap3A_346] {strides = array<i32>} : memref<128x64xf32, #tpu.memory_space<vmem>>, vector<1x16xf32>,
        %swap3A_348 = vector.shape_cast %swap3A_347 : vector<1x16xf32> to vector<16xf32>
        %swap3A_349 = vector.shape_cast %get3A_340 : vector<16xf32> to vector<1x16xf32>
        tpu.vector_store %arg11[%swap3A_345, %swap3A_346], %swap3A_349 {strides = array<i32>} : memref<128x64xf32, #tpu.memory_space<vmem>>, vector<1x16xf32>,
        %mul3A_350 = arith.constant 8 : i32
        %mul3A_351 = arith.muli %scan3A_163, %mul3A_350 : i32
        %add3A_352 = arith.constant 5 : i32
        %add3A_353 = arith.addi %mul3A_351, %add3A_352 : i32
        %get3A_354 = arith.index_cast %add3A_353 : i32 to index
        %get3A_355 = arith.constant 16 : index
        %get3A_356 = tpu.vector_load %arg8[%get3A_354, %get3A_355] {strides = array<i32>} : memref<128x32xf32, #tpu.memory_space<vmem>>, vector<1x16xf32>,
        %get3A_357 = vector.shape_cast %get3A_356 : vector<1x16xf32> to vector<16xf32>
        %mul3A_358 = arith.constant 8 : i32
        %mul3A_359 = arith.muli %scan3A_163, %mul3A_358 : i32
        %add3A_360 = arith.constant 5 : i32
        %add3A_361 = arith.addi %mul3A_359, %add3A_360 : i32
        %swap3A_362 = arith.index_cast %add3A_361 : i32 to index
        %swap3A_363 = arith.constant 16 : index
        %swap3A_364 = tpu.vector_load %arg11[%swap3A_362, %swap3A_363] {strides = array<i32>} : memref<128x64xf32, #tpu.memory_space<vmem>>, vector<1x16xf32>,
        %swap3A_365 = vector.shape_cast %swap3A_364 : vector<1x16xf32> to vector<16xf32>
        %swap3A_366 = vector.shape_cast %get3A_357 : vector<16xf32> to vector<1x16xf32>
        tpu.vector_store %arg11[%swap3A_362, %swap3A_363], %swap3A_366 {strides = array<i32>} : memref<128x64xf32, #tpu.memory_space<vmem>>, vector<1x16xf32>,
        %mul3A_367 = arith.constant 8 : i32
        %mul3A_368 = arith.muli %scan3A_163, %mul3A_367 : i32
        %add3A_369 = arith.constant 6 : i32
        %add3A_370 = arith.addi %mul3A_368, %add3A_369 : i32
        %get3A_371 = arith.index_cast %add3A_370 : i32 to index
        %get3A_372 = arith.constant 0 : index
        %get3A_373 = tpu.vector_load %arg8[%get3A_371, %get3A_372] {strides = array<i32>} : memref<128x32xf32, #tpu.memory_space<vmem>>, vector<1x16xf32>,
        %get3A_374 = vector.shape_cast %get3A_373 : vector<1x16xf32> to vector<16xf32>
        %mul3A_375 = arith.constant 8 : i32
        %mul3A_376 = arith.muli %scan3A_163, %mul3A_375 : i32
        %add3A_377 = arith.constant 6 : i32
        %add3A_378 = arith.addi %mul3A_376, %add3A_377 : i32
        %swap3A_379 = arith.index_cast %add3A_378 : i32 to index
        %swap3A_380 = arith.constant 0 : index
        %swap3A_381 = tpu.vector_load %arg11[%swap3A_379, %swap3A_380] {strides = array<i32>} : memref<128x64xf32, #tpu.memory_space<vmem>>, vector<1x16xf32>,
        %swap3A_382 = vector.shape_cast %swap3A_381 : vector<1x16xf32> to vector<16xf32>
        %swap3A_383 = vector.shape_cast %get3A_374 : vector<16xf32> to vector<1x16xf32>
        tpu.vector_store %arg11[%swap3A_379, %swap3A_380], %swap3A_383 {strides = array<i32>} : memref<128x64xf32, #tpu.memory_space<vmem>>, vector<1x16xf32>,
        %mul3A_384 = arith.constant 8 : i32
        %mul3A_385 = arith.muli %scan3A_163, %mul3A_384 : i32
        %add3A_386 = arith.constant 6 : i32
        %add3A_387 = arith.addi %mul3A_385, %add3A_386 : i32
        %get3A_388 = arith.index_cast %add3A_387 : i32 to index
        %get3A_389 = arith.constant 16 : index
        %get3A_390 = tpu.vector_load %arg8[%get3A_388, %get3A_389] {strides = array<i32>} : memref<128x32xf32, #tpu.memory_space<vmem>>, vector<1x16xf32>,
        %get3A_391 = vector.shape_cast %get3A_390 : vector<1x16xf32> to vector<16xf32>
        %mul3A_392 = arith.constant 8 : i32
        %mul3A_393 = arith.muli %scan3A_163, %mul3A_392 : i32
        %add3A_394 = arith.constant 6 : i32
        %add3A_395 = arith.addi %mul3A_393, %add3A_394 : i32
        %swap3A_396 = arith.index_cast %add3A_395 : i32 to index
        %swap3A_397 = arith.constant 16 : index
        %swap3A_398 = tpu.vector_load %arg11[%swap3A_396, %swap3A_397] {strides = array<i32>} : memref<128x64xf32, #tpu.memory_space<vmem>>, vector<1x16xf32>,
        %swap3A_399 = vector.shape_cast %swap3A_398 : vector<1x16xf32> to vector<16xf32>
        %swap3A_400 = vector.shape_cast %get3A_391 : vector<16xf32> to vector<1x16xf32>
        tpu.vector_store %arg11[%swap3A_396, %swap3A_397], %swap3A_400 {strides = array<i32>} : memref<128x64xf32, #tpu.memory_space<vmem>>, vector<1x16xf32>,
        %mul3A_401 = arith.constant 8 : i32
        %mul3A_402 = arith.muli %scan3A_163, %mul3A_401 : i32
        %add3A_403 = arith.constant 7 : i32
        %add3A_404 = arith.addi %mul3A_402, %add3A_403 : i32
        %get3A_405 = arith.index_cast %add3A_404 : i32 to index
        %get3A_406 = arith.constant 0 : index
        %get3A_407 = tpu.vector_load %arg8[%get3A_405, %get3A_406] {strides = array<i32>} : memref<128x32xf32, #tpu.memory_space<vmem>>, vector<1x16xf32>,
        %get3A_408 = vector.shape_cast %get3A_407 : vector<1x16xf32> to vector<16xf32>
        %mul3A_409 = arith.constant 8 : i32
        %mul3A_410 = arith.muli %scan3A_163, %mul3A_409 : i32
        %add3A_411 = arith.constant 7 : i32
        %add3A_412 = arith.addi %mul3A_410, %add3A_411 : i32
        %swap3A_413 = arith.index_cast %add3A_412 : i32 to index
        %swap3A_414 = arith.constant 0 : index
        %swap3A_415 = tpu.vector_load %arg11[%swap3A_413, %swap3A_414] {strides = array<i32>} : memref<128x64xf32, #tpu.memory_space<vmem>>, vector<1x16xf32>,
        %swap3A_416 = vector.shape_cast %swap3A_415 : vector<1x16xf32> to vector<16xf32>
        %swap3A_417 = vector.shape_cast %get3A_408 : vector<16xf32> to vector<1x16xf32>
        tpu.vector_store %arg11[%swap3A_413, %swap3A_414], %swap3A_417 {strides = array<i32>} : memref<128x64xf32, #tpu.memory_space<vmem>>, vector<1x16xf32>,
        %mul3A_418 = arith.constant 8 : i32
        %mul3A_419 = arith.muli %scan3A_163, %mul3A_418 : i32
        %add3A_420 = arith.constant 7 : i32
        %add3A_421 = arith.addi %mul3A_419, %add3A_420 : i32
        %get3A_422 = arith.index_cast %add3A_421 : i32 to index
        %get3A_423 = arith.constant 16 : index
        %get3A_424 = tpu.vector_load %arg8[%get3A_422, %get3A_423] {strides = array<i32>} : memref<128x32xf32, #tpu.memory_space<vmem>>, vector<1x16xf32>,
        %get3A_425 = vector.shape_cast %get3A_424 : vector<1x16xf32> to vector<16xf32>
        %mul3A_426 = arith.constant 8 : i32
        %mul3A_427 = arith.muli %scan3A_163, %mul3A_426 : i32
        %add3A_428 = arith.constant 7 : i32
        %add3A_429 = arith.addi %mul3A_427, %add3A_428 : i32
        %swap3A_430 = arith.index_cast %add3A_429 : i32 to index
        %swap3A_431 = arith.constant 16 : index
        %swap3A_432 = tpu.vector_load %arg11[%swap3A_430, %swap3A_431] {strides = array<i32>} : memref<128x64xf32, #tpu.memory_space<vmem>>, vector<1x16xf32>,
        %swap3A_433 = vector.shape_cast %swap3A_432 : vector<1x16xf32> to vector<16xf32>
        %swap3A_434 = vector.shape_cast %get3A_425 : vector<16xf32> to vector<1x16xf32>
        tpu.vector_store %arg11[%swap3A_430, %swap3A_431], %swap3A_434 {strides = array<i32>} : memref<128x64xf32, #tpu.memory_space<vmem>>, vector<1x16xf32>,
      }
      %scan3A_148 = arith.constant 16 : i32
      %mul3A_149 = arith.constant 128 : i32
      %mul3A_150 = arith.muli %add3A_133, %mul3A_149 : i32
      %add3A_151 = arith.addi %mul3A_2, %mul3A_150 : i32
      %dma_start3A_152 = arith.constant 0 : i32
      %dma_start3A_153 = tpu.memref_slice %arg4[%add3A_151, %dma_start3A_152] : memref<262144x64xf32, #tpu.memory_space<hbm>> -> memref<128x64xf32, #tpu.memory_space<hbm>>
      %dma_start3A_154 = arith.constant 0 : i32
      %dma_start3A_155 = tpu.memref_slice %arg4[%add3A_151, %dma_start3A_154] : memref<262144x64xf32, #tpu.memory_space<hbm>> -> memref<128x64xf32, #tpu.memory_space<hbm>>
      tpu.enqueue_dma source(%arg11 : memref<128x64xf32, #tpu.memory_space<vmem>>) target(%dma_start3A_155 : memref<128x64xf32, #tpu.memory_space<hbm>>) target_semaphore(%arg17 : memref<!tpu.dma_semaphore, #tpu.memory_space<semaphore_mem>>)
      %add3A_156 = arith.constant 3 : i32
      %add3A_157 = arith.addi %add3A_133, %add3A_156 : i32
      %lt3A_158 = arith.constant 64 : i32
      %lt3A_159 = arith.cmpi slt, %add3A_157, %lt3A_158 : i32
      %convert_element_type3A_160 = arith.extui %lt3A_159 : i1 to i32
      %cond3A_161 = arith.constant 0 : i32
      %cond3A_162 = arith.cmpi ne, %convert_element_type3A_160, %cond3A_161 : i32
      scf.if %cond3A_162 {
        %add3A_163 = arith.constant 3 : i32
        %add3A_164 = arith.addi %add3A_133, %add3A_163 : i32
        %mul3A_165 = arith.constant 128 : i32
        %mul3A_166 = arith.muli %add3A_164, %mul3A_165 : i32
        %add3A_167 = arith.addi %mul3A_2, %mul3A_166 : i32
        %dma_start3A_168 = arith.constant 0 : i32
        %dma_start3A_169 = tpu.memref_slice %arg2[%add3A_167, %dma_start3A_168] : memref<262144x32xf32, #tpu.memory_space<hbm>> -> memref<128x32xf32, #tpu.memory_space<hbm>>
        %dma_start3A_170 = arith.constant 0 : i32
        %dma_start3A_171 = tpu.memref_slice %arg2[%add3A_167, %dma_start3A_170] : memref<262144x32xf32, #tpu.memory_space<hbm>> -> memref<128x32xf32, #tpu.memory_space<hbm>>
        tpu.enqueue_dma source(%dma_start3A_171 : memref<128x32xf32, #tpu.memory_space<hbm>>) target(%arg8 : memref<128x32xf32, #tpu.memory_space<vmem>>) target_semaphore(%arg14 : memref<!tpu.dma_semaphore, #tpu.memory_space<semaphore_mem>>)
      } else {
      }
    }
    %scan3A_35 = arith.constant 21 : i32
    %dma_wait3A = arith.constant 0 : i32
    %dma_wait3A_36 = tpu.memref_slice %arg4[%mul3A_2, %dma_wait3A] : memref<262144x64xf32, #tpu.memory_space<hbm>> -> memref<128x64xf32, #tpu.memory_space<hbm>>
    %dma_wait3A_37 = arith.constant 0 : i32
    %dma_wait3A_38 = tpu.memref_slice %arg4[%mul3A_2, %dma_wait3A_37] : memref<262144x64xf32, #tpu.memory_space<hbm>> -> memref<128x64xf32, #tpu.memory_space<hbm>>
    tpu.wait_dma2 semaphore(%arg15 : memref<!tpu.dma_semaphore, #tpu.memory_space<semaphore_mem>>) src(%arg9 : memref<128x64xf32, #tpu.memory_space<vmem>>) dst(%dma_wait3A_38 : memref<128x64xf32, #tpu.memory_space<hbm>>)
    %dma_wait3A_39 = arith.constant 0 : i32
    %dma_wait3A_40 = tpu.memref_slice %arg2[%mul3A_2, %dma_wait3A_39] : memref<262144x32xf32, #tpu.memory_space<hbm>> -> memref<128x32xf32, #tpu.memory_space<hbm>>
    %dma_wait3A_41 = arith.constant 0 : i32
    %dma_wait3A_42 = tpu.memref_slice %arg2[%mul3A_2, %dma_wait3A_41] : memref<262144x32xf32, #tpu.memory_space<hbm>> -> memref<128x32xf32, #tpu.memory_space<hbm>>
    tpu.wait_dma2 semaphore(%arg12 : memref<!tpu.dma_semaphore, #tpu.memory_space<semaphore_mem>>) src(%dma_wait3A_42 : memref<128x32xf32, #tpu.memory_space<hbm>>) dst(%arg6 : memref<128x32xf32, #tpu.memory_space<vmem>>)
    %scan3A_43 = arith.constant 0 : i32
    %scan3A_44 = arith.constant 0 : i32
    %scan3A_45 = arith.constant 16 : i32
    %scan3A_46 = arith.addi %scan3A_44, %scan3A_45 : i32
    %scan3A_47 = arith.constant 1 : i32
    scf.for %scan3A_67 = %scan3A_44 to %scan3A_46 step %scan3A_47  : i32 {
      %mul3A_68 = arith.constant 8 : i32
      %mul3A_69 = arith.muli %scan3A_67, %mul3A_68 : i32
      %add3A_70 = arith.constant 0 : i32
      %add3A_71 = arith.addi %mul3A_69, %add3A_70 : i32
      %get3A_72 = arith.index_cast %add3A_71 : i32 to index
      %get3A_73 = arith.constant 0 : index
      %get3A_74 = tpu.vector_load %arg6[%get3A_72, %get3A_73] {strides = array<i32>} : memref<128x32xf32, #tpu.memory_space<vmem>>, vector<1x16xf32>,
      %get3A_75 = vector.shape_cast %get3A_74 : vector<1x16xf32> to vector<16xf32>
      %mul3A_76 = arith.constant 8 : i32
      %mul3A_77 = arith.muli %scan3A_67, %mul3A_76 : i32
      %add3A_78 = arith.constant 0 : i32
      %add3A_79 = arith.addi %mul3A_77, %add3A_78 : i32
      %swap3A = arith.index_cast %add3A_79 : i32 to index
      %swap3A_80 = arith.constant 0 : index
      %swap3A_81 = tpu.vector_load %arg9[%swap3A, %swap3A_80] {strides = array<i32>} : memref<128x64xf32, #tpu.memory_space<vmem>>, vector<1x16xf32>,
      %swap3A_82 = vector.shape_cast %swap3A_81 : vector<1x16xf32> to vector<16xf32>
      %swap3A_83 = vector.shape_cast %get3A_75 : vector<16xf32> to vector<1x16xf32>
      tpu.vector_store %arg9[%swap3A, %swap3A_80], %swap3A_83 {strides = array<i32>} : memref<128x64xf32, #tpu.memory_space<vmem>>, vector<1x16xf32>,
      %mul3A_84 = arith.constant 8 : i32
      %mul3A_85 = arith.muli %scan3A_67, %mul3A_84 : i32
      %add3A_86 = arith.constant 0 : i32
      %add3A_87 = arith.addi %mul3A_85, %add3A_86 : i32
      %get3A_88 = arith.index_cast %add3A_87 : i32 to index
      %get3A_89 = arith.constant 16 : index
      %get3A_90 = tpu.vector_load %arg6[%get3A_88, %get3A_89] {strides = array<i32>} : memref<128x32xf32, #tpu.memory_space<vmem>>, vector<1x16xf32>,
      %get3A_91 = vector.shape_cast %get3A_90 : vector<1x16xf32> to vector<16xf32>
      %mul3A_92 = arith.constant 8 : i32
      %mul3A_93 = arith.muli %scan3A_67, %mul3A_92 : i32
      %add3A_94 = arith.constant 0 : i32
      %add3A_95 = arith.addi %mul3A_93, %add3A_94 : i32
      %swap3A_96 = arith.index_cast %add3A_95 : i32 to index
      %swap3A_97 = arith.constant 16 : index
      %swap3A_98 = tpu.vector_load %arg9[%swap3A_96, %swap3A_97] {strides = array<i32>} : memref<128x64xf32, #tpu.memory_space<vmem>>, vector<1x16xf32>,
      %swap3A_99 = vector.shape_cast %swap3A_98 : vector<1x16xf32> to vector<16xf32>
      %swap3A_100 = vector.shape_cast %get3A_91 : vector<16xf32> to vector<1x16xf32>
      tpu.vector_store %arg9[%swap3A_96, %swap3A_97], %swap3A_100 {strides = array<i32>} : memref<128x64xf32, #tpu.memory_space<vmem>>, vector<1x16xf32>,
      %mul3A_101 = arith.constant 8 : i32
      %mul3A_102 = arith.muli %scan3A_67, %mul3A_101 : i32
      %add3A_103 = arith.constant 1 : i32
      %add3A_104 = arith.addi %mul3A_102, %add3A_103 : i32
      %get3A_105 = arith.index_cast %add3A_104 : i32 to index
      %get3A_106 = arith.constant 0 : index
      %get3A_107 = tpu.vector_load %arg6[%get3A_105, %get3A_106] {strides = array<i32>} : memref<128x32xf32, #tpu.memory_space<vmem>>, vector<1x16xf32>,
      %get3A_108 = vector.shape_cast %get3A_107 : vector<1x16xf32> to vector<16xf32>
      %mul3A_109 = arith.constant 8 : i32
      %mul3A_110 = arith.muli %scan3A_67, %mul3A_109 : i32
      %add3A_111 = arith.constant 1 : i32
      %add3A_112 = arith.addi %mul3A_110, %add3A_111 : i32
      %swap3A_113 = arith.index_cast %add3A_112 : i32 to index
      %swap3A_114 = arith.constant 0 : index
      %swap3A_115 = tpu.vector_load %arg9[%swap3A_113, %swap3A_114] {strides = array<i32>} : memref<128x64xf32, #tpu.memory_space<vmem>>, vector<1x16xf32>,
      %swap3A_116 = vector.shape_cast %swap3A_115 : vector<1x16xf32> to vector<16xf32>
      %swap3A_117 = vector.shape_cast %get3A_108 : vector<16xf32> to vector<1x16xf32>
      tpu.vector_store %arg9[%swap3A_113, %swap3A_114], %swap3A_117 {strides = array<i32>} : memref<128x64xf32, #tpu.memory_space<vmem>>, vector<1x16xf32>,
      %mul3A_118 = arith.constant 8 : i32
      %mul3A_119 = arith.muli %scan3A_67, %mul3A_118 : i32
      %add3A_120 = arith.constant 1 : i32
      %add3A_121 = arith.addi %mul3A_119, %add3A_120 : i32
      %get3A_122 = arith.index_cast %add3A_121 : i32 to index
      %get3A_123 = arith.constant 16 : index
      %get3A_124 = tpu.vector_load %arg6[%get3A_122, %get3A_123] {strides = array<i32>} : memref<128x32xf32, #tpu.memory_space<vmem>>, vector<1x16xf32>,
      %get3A_125 = vector.shape_cast %get3A_124 : vector<1x16xf32> to vector<16xf32>
      %mul3A_126 = arith.constant 8 : i32
      %mul3A_127 = arith.muli %scan3A_67, %mul3A_126 : i32
      %add3A_128 = arith.constant 1 : i32
      %add3A_129 = arith.addi %mul3A_127, %add3A_128 : i32
      %swap3A_130 = arith.index_cast %add3A_129 : i32 to index
      %swap3A_131 = arith.constant 16 : index
      %swap3A_132 = tpu.vector_load %arg9[%swap3A_130, %swap3A_131] {strides = array<i32>} : memref<128x64xf32, #tpu.memory_space<vmem>>, vector<1x16xf32>,
      %swap3A_133 = vector.shape_cast %swap3A_132 : vector<1x16xf32> to vector<16xf32>
      %swap3A_134 = vector.shape_cast %get3A_125 : vector<16xf32> to vector<1x16xf32>
      tpu.vector_store %arg9[%swap3A_130, %swap3A_131], %swap3A_134 {strides = array<i32>} : memref<128x64xf32, #tpu.memory_space<vmem>>, vector<1x16xf32>,
      %mul3A_135 = arith.constant 8 : i32
      %mul3A_136 = arith.muli %scan3A_67, %mul3A_135 : i32
      %add3A_137 = arith.constant 2 : i32
      %add3A_138 = arith.addi %mul3A_136, %add3A_137 : i32
      %get3A_139 = arith.index_cast %add3A_138 : i32 to index
      %get3A_140 = arith.constant 0 : index
      %get3A_141 = tpu.vector_load %arg6[%get3A_139, %get3A_140] {strides = array<i32>} : memref<128x32xf32, #tpu.memory_space<vmem>>, vector<1x16xf32>,
      %get3A_142 = vector.shape_cast %get3A_141 : vector<1x16xf32> to vector<16xf32>
      %mul3A_143 = arith.constant 8 : i32
      %mul3A_144 = arith.muli %scan3A_67, %mul3A_143 : i32
      %add3A_145 = arith.constant 2 : i32
      %add3A_146 = arith.addi %mul3A_144, %add3A_145 : i32
      %swap3A_147 = arith.index_cast %add3A_146 : i32 to index
      %swap3A_148 = arith.constant 0 : index
      %swap3A_149 = tpu.vector_load %arg9[%swap3A_147, %swap3A_148] {strides = array<i32>} : memref<128x64xf32, #tpu.memory_space<vmem>>, vector<1x16xf32>,
      %swap3A_150 = vector.shape_cast %swap3A_149 : vector<1x16xf32> to vector<16xf32>
      %swap3A_151 = vector.shape_cast %get3A_142 : vector<16xf32> to vector<1x16xf32>
      tpu.vector_store %arg9[%swap3A_147, %swap3A_148], %swap3A_151 {strides = array<i32>} : memref<128x64xf32, #tpu.memory_space<vmem>>, vector<1x16xf32>,
      %mul3A_152 = arith.constant 8 : i32
      %mul3A_153 = arith.muli %scan3A_67, %mul3A_152 : i32
      %add3A_154 = arith.constant 2 : i32
      %add3A_155 = arith.addi %mul3A_153, %add3A_154 : i32
      %get3A_156 = arith.index_cast %add3A_155 : i32 to index
      %get3A_157 = arith.constant 16 : index
      %get3A_158 = tpu.vector_load %arg6[%get3A_156, %get3A_157] {strides = array<i32>} : memref<128x32xf32, #tpu.memory_space<vmem>>, vector<1x16xf32>,
      %get3A_159 = vector.shape_cast %get3A_158 : vector<1x16xf32> to vector<16xf32>
      %mul3A_160 = arith.constant 8 : i32
      %mul3A_161 = arith.muli %scan3A_67, %mul3A_160 : i32
      %add3A_162 = arith.constant 2 : i32
      %add3A_163 = arith.addi %mul3A_161, %add3A_162 : i32
      %swap3A_164 = arith.index_cast %add3A_163 : i32 to index
      %swap3A_165 = arith.constant 16 : index
      %swap3A_166 = tpu.vector_load %arg9[%swap3A_164, %swap3A_165] {strides = array<i32>} : memref<128x64xf32, #tpu.memory_space<vmem>>, vector<1x16xf32>,
      %swap3A_167 = vector.shape_cast %swap3A_166 : vector<1x16xf32> to vector<16xf32>
      %swap3A_168 = vector.shape_cast %get3A_159 : vector<16xf32> to vector<1x16xf32>
      tpu.vector_store %arg9[%swap3A_164, %swap3A_165], %swap3A_168 {strides = array<i32>} : memref<128x64xf32, #tpu.memory_space<vmem>>, vector<1x16xf32>,
      %mul3A_169 = arith.constant 8 : i32
      %mul3A_170 = arith.muli %scan3A_67, %mul3A_169 : i32
      %add3A_171 = arith.constant 3 : i32
      %add3A_172 = arith.addi %mul3A_170, %add3A_171 : i32
      %get3A_173 = arith.index_cast %add3A_172 : i32 to index
      %get3A_174 = arith.constant 0 : index
      %get3A_175 = tpu.vector_load %arg6[%get3A_173, %get3A_174] {strides = array<i32>} : memref<128x32xf32, #tpu.memory_space<vmem>>, vector<1x16xf32>,
      %get3A_176 = vector.shape_cast %get3A_175 : vector<1x16xf32> to vector<16xf32>
      %mul3A_177 = arith.constant 8 : i32
      %mul3A_178 = arith.muli %scan3A_67, %mul3A_177 : i32
      %add3A_179 = arith.constant 3 : i32
      %add3A_180 = arith.addi %mul3A_178, %add3A_179 : i32
      %swap3A_181 = arith.index_cast %add3A_180 : i32 to index
      %swap3A_182 = arith.constant 0 : index
      %swap3A_183 = tpu.vector_load %arg9[%swap3A_181, %swap3A_182] {strides = array<i32>} : memref<128x64xf32, #tpu.memory_space<vmem>>, vector<1x16xf32>,
      %swap3A_184 = vector.shape_cast %swap3A_183 : vector<1x16xf32> to vector<16xf32>
      %swap3A_185 = vector.shape_cast %get3A_176 : vector<16xf32> to vector<1x16xf32>
      tpu.vector_store %arg9[%swap3A_181, %swap3A_182], %swap3A_185 {strides = array<i32>} : memref<128x64xf32, #tpu.memory_space<vmem>>, vector<1x16xf32>,
      %mul3A_186 = arith.constant 8 : i32
      %mul3A_187 = arith.muli %scan3A_67, %mul3A_186 : i32
      %add3A_188 = arith.constant 3 : i32
      %add3A_189 = arith.addi %mul3A_187, %add3A_188 : i32
      %get3A_190 = arith.index_cast %add3A_189 : i32 to index
      %get3A_191 = arith.constant 16 : index
      %get3A_192 = tpu.vector_load %arg6[%get3A_190, %get3A_191] {strides = array<i32>} : memref<128x32xf32, #tpu.memory_space<vmem>>, vector<1x16xf32>,
      %get3A_193 = vector.shape_cast %get3A_192 : vector<1x16xf32> to vector<16xf32>
      %mul3A_194 = arith.constant 8 : i32
      %mul3A_195 = arith.muli %scan3A_67, %mul3A_194 : i32
      %add3A_196 = arith.constant 3 : i32
      %add3A_197 = arith.addi %mul3A_195, %add3A_196 : i32
      %swap3A_198 = arith.index_cast %add3A_197 : i32 to index
      %swap3A_199 = arith.constant 16 : index
      %swap3A_200 = tpu.vector_load %arg9[%swap3A_198, %swap3A_199] {strides = array<i32>} : memref<128x64xf32, #tpu.memory_space<vmem>>, vector<1x16xf32>,
      %swap3A_201 = vector.shape_cast %swap3A_200 : vector<1x16xf32> to vector<16xf32>
      %swap3A_202 = vector.shape_cast %get3A_193 : vector<16xf32> to vector<1x16xf32>
      tpu.vector_store %arg9[%swap3A_198, %swap3A_199], %swap3A_202 {strides = array<i32>} : memref<128x64xf32, #tpu.memory_space<vmem>>, vector<1x16xf32>,
      %mul3A_203 = arith.constant 8 : i32
      %mul3A_204 = arith.muli %scan3A_67, %mul3A_203 : i32
      %add3A_205 = arith.constant 4 : i32
      %add3A_206 = arith.addi %mul3A_204, %add3A_205 : i32
      %get3A_207 = arith.index_cast %add3A_206 : i32 to index
      %get3A_208 = arith.constant 0 : index
      %get3A_209 = tpu.vector_load %arg6[%get3A_207, %get3A_208] {strides = array<i32>} : memref<128x32xf32, #tpu.memory_space<vmem>>, vector<1x16xf32>,
      %get3A_210 = vector.shape_cast %get3A_209 : vector<1x16xf32> to vector<16xf32>
      %mul3A_211 = arith.constant 8 : i32
      %mul3A_212 = arith.muli %scan3A_67, %mul3A_211 : i32
      %add3A_213 = arith.constant 4 : i32
      %add3A_214 = arith.addi %mul3A_212, %add3A_213 : i32
      %swap3A_215 = arith.index_cast %add3A_214 : i32 to index
      %swap3A_216 = arith.constant 0 : index
      %swap3A_217 = tpu.vector_load %arg9[%swap3A_215, %swap3A_216] {strides = array<i32>} : memref<128x64xf32, #tpu.memory_space<vmem>>, vector<1x16xf32>,
      %swap3A_218 = vector.shape_cast %swap3A_217 : vector<1x16xf32> to vector<16xf32>
      %swap3A_219 = vector.shape_cast %get3A_210 : vector<16xf32> to vector<1x16xf32>
      tpu.vector_store %arg9[%swap3A_215, %swap3A_216], %swap3A_219 {strides = array<i32>} : memref<128x64xf32, #tpu.memory_space<vmem>>, vector<1x16xf32>,
      %mul3A_220 = arith.constant 8 : i32
      %mul3A_221 = arith.muli %scan3A_67, %mul3A_220 : i32
      %add3A_222 = arith.constant 4 : i32
      %add3A_223 = arith.addi %mul3A_221, %add3A_222 : i32
      %get3A_224 = arith.index_cast %add3A_223 : i32 to index
      %get3A_225 = arith.constant 16 : index
      %get3A_226 = tpu.vector_load %arg6[%get3A_224, %get3A_225] {strides = array<i32>} : memref<128x32xf32, #tpu.memory_space<vmem>>, vector<1x16xf32>,
      %get3A_227 = vector.shape_cast %get3A_226 : vector<1x16xf32> to vector<16xf32>
      %mul3A_228 = arith.constant 8 : i32
      %mul3A_229 = arith.muli %scan3A_67, %mul3A_228 : i32
      %add3A_230 = arith.constant 4 : i32
      %add3A_231 = arith.addi %mul3A_229, %add3A_230 : i32
      %swap3A_232 = arith.index_cast %add3A_231 : i32 to index
      %swap3A_233 = arith.constant 16 : index
      %swap3A_234 = tpu.vector_load %arg9[%swap3A_232, %swap3A_233] {strides = array<i32>} : memref<128x64xf32, #tpu.memory_space<vmem>>, vector<1x16xf32>,
      %swap3A_235 = vector.shape_cast %swap3A_234 : vector<1x16xf32> to vector<16xf32>
      %swap3A_236 = vector.shape_cast %get3A_227 : vector<16xf32> to vector<1x16xf32>
      tpu.vector_store %arg9[%swap3A_232, %swap3A_233], %swap3A_236 {strides = array<i32>} : memref<128x64xf32, #tpu.memory_space<vmem>>, vector<1x16xf32>,
      %mul3A_237 = arith.constant 8 : i32
      %mul3A_238 = arith.muli %scan3A_67, %mul3A_237 : i32
      %add3A_239 = arith.constant 5 : i32
      %add3A_240 = arith.addi %mul3A_238, %add3A_239 : i32
      %get3A_241 = arith.index_cast %add3A_240 : i32 to index
      %get3A_242 = arith.constant 0 : index
      %get3A_243 = tpu.vector_load %arg6[%get3A_241, %get3A_242] {strides = array<i32>} : memref<128x32xf32, #tpu.memory_space<vmem>>, vector<1x16xf32>,
      %get3A_244 = vector.shape_cast %get3A_243 : vector<1x16xf32> to vector<16xf32>
      %mul3A_245 = arith.constant 8 : i32
      %mul3A_246 = arith.muli %scan3A_67, %mul3A_245 : i32
      %add3A_247 = arith.constant 5 : i32
      %add3A_248 = arith.addi %mul3A_246, %add3A_247 : i32
      %swap3A_249 = arith.index_cast %add3A_248 : i32 to index
      %swap3A_250 = arith.constant 0 : index
      %swap3A_251 = tpu.vector_load %arg9[%swap3A_249, %swap3A_250] {strides = array<i32>} : memref<128x64xf32, #tpu.memory_space<vmem>>, vector<1x16xf32>,
      %swap3A_252 = vector.shape_cast %swap3A_251 : vector<1x16xf32> to vector<16xf32>
      %swap3A_253 = vector.shape_cast %get3A_244 : vector<16xf32> to vector<1x16xf32>
      tpu.vector_store %arg9[%swap3A_249, %swap3A_250], %swap3A_253 {strides = array<i32>} : memref<128x64xf32, #tpu.memory_space<vmem>>, vector<1x16xf32>,
      %mul3A_254 = arith.constant 8 : i32
      %mul3A_255 = arith.muli %scan3A_67, %mul3A_254 : i32
      %add3A_256 = arith.constant 5 : i32
      %add3A_257 = arith.addi %mul3A_255, %add3A_256 : i32
      %get3A_258 = arith.index_cast %add3A_257 : i32 to index
      %get3A_259 = arith.constant 16 : index
      %get3A_260 = tpu.vector_load %arg6[%get3A_258, %get3A_259] {strides = array<i32>} : memref<128x32xf32, #tpu.memory_space<vmem>>, vector<1x16xf32>,
      %get3A_261 = vector.shape_cast %get3A_260 : vector<1x16xf32> to vector<16xf32>
      %mul3A_262 = arith.constant 8 : i32
      %mul3A_263 = arith.muli %scan3A_67, %mul3A_262 : i32
      %add3A_264 = arith.constant 5 : i32
      %add3A_265 = arith.addi %mul3A_263, %add3A_264 : i32
      %swap3A_266 = arith.index_cast %add3A_265 : i32 to index
      %swap3A_267 = arith.constant 16 : index
      %swap3A_268 = tpu.vector_load %arg9[%swap3A_266, %swap3A_267] {strides = array<i32>} : memref<128x64xf32, #tpu.memory_space<vmem>>, vector<1x16xf32>,
      %swap3A_269 = vector.shape_cast %swap3A_268 : vector<1x16xf32> to vector<16xf32>
      %swap3A_270 = vector.shape_cast %get3A_261 : vector<16xf32> to vector<1x16xf32>
      tpu.vector_store %arg9[%swap3A_266, %swap3A_267], %swap3A_270 {strides = array<i32>} : memref<128x64xf32, #tpu.memory_space<vmem>>, vector<1x16xf32>,
      %mul3A_271 = arith.constant 8 : i32
      %mul3A_272 = arith.muli %scan3A_67, %mul3A_271 : i32
      %add3A_273 = arith.constant 6 : i32
      %add3A_274 = arith.addi %mul3A_272, %add3A_273 : i32
      %get3A_275 = arith.index_cast %add3A_274 : i32 to index
      %get3A_276 = arith.constant 0 : index
      %get3A_277 = tpu.vector_load %arg6[%get3A_275, %get3A_276] {strides = array<i32>} : memref<128x32xf32, #tpu.memory_space<vmem>>, vector<1x16xf32>,
      %get3A_278 = vector.shape_cast %get3A_277 : vector<1x16xf32> to vector<16xf32>
      %mul3A_279 = arith.constant 8 : i32
      %mul3A_280 = arith.muli %scan3A_67, %mul3A_279 : i32
      %add3A_281 = arith.constant 6 : i32
      %add3A_282 = arith.addi %mul3A_280, %add3A_281 : i32
      %swap3A_283 = arith.index_cast %add3A_282 : i32 to index
      %swap3A_284 = arith.constant 0 : index
      %swap3A_285 = tpu.vector_load %arg9[%swap3A_283, %swap3A_284] {strides = array<i32>} : memref<128x64xf32, #tpu.memory_space<vmem>>, vector<1x16xf32>,
      %swap3A_286 = vector.shape_cast %swap3A_285 : vector<1x16xf32> to vector<16xf32>
      %swap3A_287 = vector.shape_cast %get3A_278 : vector<16xf32> to vector<1x16xf32>
      tpu.vector_store %arg9[%swap3A_283, %swap3A_284], %swap3A_287 {strides = array<i32>} : memref<128x64xf32, #tpu.memory_space<vmem>>, vector<1x16xf32>,
      %mul3A_288 = arith.constant 8 : i32
      %mul3A_289 = arith.muli %scan3A_67, %mul3A_288 : i32
      %add3A_290 = arith.constant 6 : i32
      %add3A_291 = arith.addi %mul3A_289, %add3A_290 : i32
      %get3A_292 = arith.index_cast %add3A_291 : i32 to index
      %get3A_293 = arith.constant 16 : index
      %get3A_294 = tpu.vector_load %arg6[%get3A_292, %get3A_293] {strides = array<i32>} : memref<128x32xf32, #tpu.memory_space<vmem>>, vector<1x16xf32>,
      %get3A_295 = vector.shape_cast %get3A_294 : vector<1x16xf32> to vector<16xf32>
      %mul3A_296 = arith.constant 8 : i32
      %mul3A_297 = arith.muli %scan3A_67, %mul3A_296 : i32
      %add3A_298 = arith.constant 6 : i32
      %add3A_299 = arith.addi %mul3A_297, %add3A_298 : i32
      %swap3A_300 = arith.index_cast %add3A_299 : i32 to index
      %swap3A_301 = arith.constant 16 : index
      %swap3A_302 = tpu.vector_load %arg9[%swap3A_300, %swap3A_301] {strides = array<i32>} : memref<128x64xf32, #tpu.memory_space<vmem>>, vector<1x16xf32>,
      %swap3A_303 = vector.shape_cast %swap3A_302 : vector<1x16xf32> to vector<16xf32>
      %swap3A_304 = vector.shape_cast %get3A_295 : vector<16xf32> to vector<1x16xf32>
      tpu.vector_store %arg9[%swap3A_300, %swap3A_301], %swap3A_304 {strides = array<i32>} : memref<128x64xf32, #tpu.memory_space<vmem>>, vector<1x16xf32>,
      %mul3A_305 = arith.constant 8 : i32
      %mul3A_306 = arith.muli %scan3A_67, %mul3A_305 : i32
      %add3A_307 = arith.constant 7 : i32
      %add3A_308 = arith.addi %mul3A_306, %add3A_307 : i32
      %get3A_309 = arith.index_cast %add3A_308 : i32 to index
      %get3A_310 = arith.constant 0 : index
      %get3A_311 = tpu.vector_load %arg6[%get3A_309, %get3A_310] {strides = array<i32>} : memref<128x32xf32, #tpu.memory_space<vmem>>, vector<1x16xf32>,
      %get3A_312 = vector.shape_cast %get3A_311 : vector<1x16xf32> to vector<16xf32>
      %mul3A_313 = arith.constant 8 : i32
      %mul3A_314 = arith.muli %scan3A_67, %mul3A_313 : i32
      %add3A_315 = arith.constant 7 : i32
      %add3A_316 = arith.addi %mul3A_314, %add3A_315 : i32
      %swap3A_317 = arith.index_cast %add3A_316 : i32 to index
      %swap3A_318 = arith.constant 0 : index
      %swap3A_319 = tpu.vector_load %arg9[%swap3A_317, %swap3A_318] {strides = array<i32>} : memref<128x64xf32, #tpu.memory_space<vmem>>, vector<1x16xf32>,
      %swap3A_320 = vector.shape_cast %swap3A_319 : vector<1x16xf32> to vector<16xf32>
      %swap3A_321 = vector.shape_cast %get3A_312 : vector<16xf32> to vector<1x16xf32>
      tpu.vector_store %arg9[%swap3A_317, %swap3A_318], %swap3A_321 {strides = array<i32>} : memref<128x64xf32, #tpu.memory_space<vmem>>, vector<1x16xf32>,
      %mul3A_322 = arith.constant 8 : i32
      %mul3A_323 = arith.muli %scan3A_67, %mul3A_322 : i32
      %add3A_324 = arith.constant 7 : i32
      %add3A_325 = arith.addi %mul3A_323, %add3A_324 : i32
      %get3A_326 = arith.index_cast %add3A_325 : i32 to index
      %get3A_327 = arith.constant 16 : index
      %get3A_328 = tpu.vector_load %arg6[%get3A_326, %get3A_327] {strides = array<i32>} : memref<128x32xf32, #tpu.memory_space<vmem>>, vector<1x16xf32>,
      %get3A_329 = vector.shape_cast %get3A_328 : vector<1x16xf32> to vector<16xf32>
      %mul3A_330 = arith.constant 8 : i32
      %mul3A_331 = arith.muli %scan3A_67, %mul3A_330 : i32
      %add3A_332 = arith.constant 7 : i32
      %add3A_333 = arith.addi %mul3A_331, %add3A_332 : i32
      %swap3A_334 = arith.index_cast %add3A_333 : i32 to index
      %swap3A_335 = arith.constant 16 : index
      %swap3A_336 = tpu.vector_load %arg9[%swap3A_334, %swap3A_335] {strides = array<i32>} : memref<128x64xf32, #tpu.memory_space<vmem>>, vector<1x16xf32>,
      %swap3A_337 = vector.shape_cast %swap3A_336 : vector<1x16xf32> to vector<16xf32>
      %swap3A_338 = vector.shape_cast %get3A_329 : vector<16xf32> to vector<1x16xf32>
      tpu.vector_store %arg9[%swap3A_334, %swap3A_335], %swap3A_338 {strides = array<i32>} : memref<128x64xf32, #tpu.memory_space<vmem>>, vector<1x16xf32>,
    }
    %scan3A_48 = arith.constant 16 : i32
    %add3A_49 = arith.constant 8064 : i32
    %add3A_50 = arith.addi %mul3A_2, %add3A_49 : i32
    %dma_start3A_51 = arith.constant 0 : i32
    %dma_start3A_52 = tpu.memref_slice %arg4[%add3A_50, %dma_start3A_51] : memref<262144x64xf32, #tpu.memory_space<hbm>> -> memref<128x64xf32, #tpu.memory_space<hbm>>
    %dma_start3A_53 = arith.constant 0 : i32
    %dma_start3A_54 = tpu.memref_slice %arg4[%add3A_50, %dma_start3A_53] : memref<262144x64xf32, #tpu.memory_space<hbm>> -> memref<128x64xf32, #tpu.memory_space<hbm>>
    tpu.enqueue_dma source(%arg9 : memref<128x64xf32, #tpu.memory_space<vmem>>) target(%dma_start3A_54 : memref<128x64xf32, #tpu.memory_space<hbm>>) target_semaphore(%arg15 : memref<!tpu.dma_semaphore, #tpu.memory_space<semaphore_mem>>)
    %dma_wait3A_55 = arith.constant 0 : i32
    %dma_wait3A_56 = tpu.memref_slice %arg4[%mul3A_2, %dma_wait3A_55] : memref<262144x64xf32, #tpu.memory_space<hbm>> -> memref<128x64xf32, #tpu.memory_space<hbm>>
    %dma_wait3A_57 = arith.constant 0 : i32
    %dma_wait3A_58 = tpu.memref_slice %arg4[%mul3A_2, %dma_wait3A_57] : memref<262144x64xf32, #tpu.memory_space<hbm>> -> memref<128x64xf32, #tpu.memory_space<hbm>>
    tpu.wait_dma2 semaphore(%arg16 : memref<!tpu.dma_semaphore, #tpu.memory_space<semaphore_mem>>) src(%arg10 : memref<128x64xf32, #tpu.memory_space<vmem>>) dst(%dma_wait3A_58 : memref<128x64xf32, #tpu.memory_space<hbm>>)
    %dma_wait3A_59 = arith.constant 0 : i32
    %dma_wait3A_60 = tpu.memref_slice %arg4[%mul3A_2, %dma_wait3A_59] : memref<262144x64xf32, #tpu.memory_space<hbm>> -> memref<128x64xf32, #tpu.memory_space<hbm>>
    %dma_wait3A_61 = arith.constant 0 : i32
    %dma_wait3A_62 = tpu.memref_slice %arg4[%mul3A_2, %dma_wait3A_61] : memref<262144x64xf32, #tpu.memory_space<hbm>> -> memref<128x64xf32, #tpu.memory_space<hbm>>
    tpu.wait_dma2 semaphore(%arg17 : memref<!tpu.dma_semaphore, #tpu.memory_space<semaphore_mem>>) src(%arg11 : memref<128x64xf32, #tpu.memory_space<vmem>>) dst(%dma_wait3A_62 : memref<128x64xf32, #tpu.memory_space<hbm>>)
    %dma_wait3A_63 = arith.constant 0 : i32
    %dma_wait3A_64 = tpu.memref_slice %arg4[%mul3A_2, %dma_wait3A_63] : memref<262144x64xf32, #tpu.memory_space<hbm>> -> memref<128x64xf32, #tpu.memory_space<hbm>>
    %dma_wait3A_65 = arith.constant 0 : i32
    %dma_wait3A_66 = tpu.memref_slice %arg4[%mul3A_2, %dma_wait3A_65] : memref<262144x64xf32, #tpu.memory_space<hbm>> -> memref<128x64xf32, #tpu.memory_space<hbm>>
    tpu.wait_dma2 semaphore(%arg15 : memref<!tpu.dma_semaphore, #tpu.memory_space<semaphore_mem>>) src(%arg9 : memref<128x64xf32, #tpu.memory_space<vmem>>) dst(%dma_wait3A_66 : memref<128x64xf32, #tpu.memory_space<hbm>>)
    return
  }
}

</mosaic_0001>

<sc_bundles>
// kernel: kernel.3.cloned.1.call-start
scs
__scs_entry_jumppad:
0x0: {  	(pc) =	sbr.rel $0x88, $3  }
0x1: {  	(tag) =	ssettag $0x0;
	lr =	simm.s32 $0x1  }
0x2: {  	[smem:$0x3F9F] =	sst lr;
	_ =	strace $0xD0000000  }
0x3: {  	_ = 	snop  }
0x4: {  	_ = 	snop  }
0x5: {  	_ = 	snop  }
0x6: {  	_ = 	snop  }
0x7: {  	_ = 	snop  }
__scs_overlays_trampoline_lowered:
0x8: {  	[smem:$0x3FAE] =	sst s0  }
0x9: {  	[smem:$0x3FAF] =	sst s1  }
0xa: {  	[smem:$0x3FB0] =	sst s2  }
0xb: {  	[smem:$0x3FB1] =	sst s3  }
0xc: {  	[smem:$0x3FB2] =	sst s4  }
0xd: {  	[smem:$0x3FB3] =	sst s5  }
0xe: {  	[smem:$0x3FB4] =	sst s6  }
0xf: {  	[smem:$0x3FB5] =	sst s7  }
0x10: {  	[smem:$0x3FB6] =	sst s8  }
0x11: {  	[smem:$0x3FB7] =	sst s9;
	s0 =	simm.s32 @!p0 $0x0  }
0x12: {  	s1 =	sld [smem:$0x3F9D];
	s0 =	simm.s32 @p0 $0x1  }
0x13: {  	[smem:$0x3FB8] =	sst s0;
	s0 =	simm.s32 @!p1 $0x0  }
0x14: {  	s2 =	sld [smem:$0x3F9C];
	s0 =	simm.s32 @p1 $0x1  }
0x15: {  	[smem:$0x3FB9] =	sst s0;
	s0 =	simm.s32 @!p2 $0x0  }
0x16: {  	s3 =	sld [smem:$0x3FDB];
	s0 =	simm.s32 @p2 $0x1  }
0x17: {  	s4 =	simm.s32 $0x1BF5;
	[smem:$0x3FBB] =	sst s0  }
0x18: {  	s0 =	sld [smem:$0x3F9E];
	_ =	swait.ge [sflag:s4], $0x0  }
0x19: {  	s7 =	sld [smem:$0x3F9F]  }
0x1a: {  	s8 =	sadd.s32 $0xFFFFE003, lr  }
0x1b: {  	s9 =	sadd.s32 $0xFFFFFEF7, lr;
	s5 =	simm.s32 $0xFFFFFFFF;
	p2 =	slt.u32 s8, $0xFFFFF086  }
0x1c: {  	p1 =	slt.u32 s9, $0xF7A;
	s5 =	simm.s32 @!p2 $0x0  }
0x1d: {  	s5 =	simm.s32 @p1 $0x1;
	p0 =	seq.s32 s7, s2  }
0x1e: {  	s7 =	smul.u32 @!p0 $0xF7A, s2;
	p2 =	seq.s32 @!p0 s5, $0x0  }
0x1f: {  	s9 =	smul.u32 $0xF7A, s1;
	s8 =	simm.s32 @!p0 $0x1BF5;
	p2 =	por !p2, p0  }
0x20: {  	[sflag:s8] =	ssyncset.s32 @!p0 $0xFFFFF086;
	s6 =	sadd.s32 @!p0 s3, s7;
	s7 =	simm.s32 @!p0 $0x108  }
0x21: {  	s3 =	sadd.s32 s3, s9;
	s6 =	sadd.s32 @!p0 $0x88, s6;
	s7 =	simm.s32 @p2 $0x1082  }
0x22: {  	[simem:s7], [sflag:s8] =	dma.local @!p0 [hbm:s6], $0xF7A  }
0x23: {  	s9 =	sor.u32 $0xD0000000, s2;
	s6 =	simm.s32 $0x108;
	_ =	swait.ge @!p0 [sflag:s8], $0x0  }
0x24: {  	s3 =	sadd.s32 $0x88, s3;
	s6 =	simm.s32 @!p1 $0x1082;
	[sflag:s4] =	ssyncset.s32 $0xFFFFF086  }
0x25: {  	[simem:s6], [sflag:s4] =	dma.local [hbm:s3], $0xF7A  }
0x26: {  	[smem:$0x3F9F] =	sst s1;
	(tag) =	ssettag s2;
	_ =	strace s9  }
0x27: {  	s1 =	sld [smem:$0x3FAF]  }
0x28: {  	s2 =	sld [smem:$0x3FB0]  }
0x29: {  	s4 =	sld [smem:$0x3FB2]  }
0x2a: {  	p0 =	seq.s32 s5, $0x0;
	s5 =	sld [smem:$0x3FB3]  }
0x2b: {  	s6 =	sld [smem:$0x3FB4]  }
0x2c: {  	s7 =	sld [smem:$0x3FB5]  }
0x2d: {  	s3 =	simm.s32 $0x108;
	s8 =	sld [smem:$0x3FB6]  }
0x2e: {  	s3 =	simm.s32 @!p0 $0x1082;
	s9 =	sld [smem:$0x3FB7]  }
0x2f: {  	lr =	sadd.s32 s0, s3;
	s0 =	sld [smem:$0x3FAE]  }
0x30: {  	s3 =	sld [smem:$0x3FB1]  }
0x31: {  	[smem:$0x3FBA] =	sst s10  }
0x32: {  	s10 =	sld [smem:$0x3FB8];
	_ =	sdelay $0x3  }
0x33: {  	p0 =	seq.s32 s10, $0x1;
	s10 =	sld [smem:$0x3FBA];
	_ =	sdelay $0x3  }
0x34: {  	[smem:$0x3FBA] =	sst s10  }
0x35: {  	s10 =	sld [smem:$0x3FB9];
	_ =	sdelay $0x3  }
0x36: {  	p1 =	seq.s32 s10, $0x1;
	s10 =	sld [smem:$0x3FBA];
	_ =	sdelay $0x3  }
0x37: {  	[smem:$0x3FBA] =	sst s10  }
0x38: {  	s10 =	sld [smem:$0x3FBB]  }
0x39: {  	_ = 	snop;
	(pc) =	sbr.ind lr, $3  }
0x3a: {  	_ = 	snop  }
0x3b: {  	_ = 	snop  }
0x3c: {  	p2 =	seq.s32 s10, $0x1;
	s10 =	sld [smem:$0x3FBA]  }
0x3d: {  	_ =	shalt  }
0x3e: {  	_ =	shalt  }
0x3f: {  	_ =	shalt  }
0x40: {  	_ =	shalt  }
0x41: {  	_ =	shalt  }
0x42: {  	_ =	shalt  }
0x43: {  	_ =	shalt  }
0x44: {  	_ =	shalt  }
0x45: {  	_ =	shalt  }
0x46: {  	_ =	shalt  }
0x47: {  	_ =	shalt  }
0x48: {  	_ =	shalt  }
0x49: {  	_ =	shalt  }
0x4a: {  	_ =	shalt  }
0x4b: {  	_ =	shalt  }
0x4c: {  	_ =	shalt  }
0x4d: {  	_ =	shalt  }
0x4e: {  	_ =	shalt  }
0x4f: {  	_ =	shalt  }
0x50: {  	_ =	shalt  }
0x51: {  	_ =	shalt  }
0x52: {  	_ =	shalt  }
0x53: {  	_ =	shalt  }
0x54: {  	_ =	shalt  }
0x55: {  	_ =	shalt  }
0x56: {  	_ =	shalt  }
0x57: {  	_ =	shalt  }
0x58: {  	_ =	shalt  }
0x59: {  	_ =	shalt  }
0x5a: {  	_ =	shalt  }
0x5b: {  	_ =	shalt  }
0x5c: {  	_ =	shalt  }
0x5d: {  	_ =	shalt  }
0x5e: {  	_ =	shalt  }
0x5f: {  	_ =	shalt  }
0x60: {  	_ =	shalt  }
0x61: {  	_ =	shalt  }
0x62: {  	_ =	shalt  }
0x63: {  	_ =	shalt  }
0x64: {  	_ =	shalt  }
0x65: {  	_ =	shalt  }
0x66: {  	_ =	shalt  }
0x67: {  	_ =	shalt  }
0x68: {  	_ =	shalt  }
0x69: {  	_ =	shalt  }
0x6a: {  	_ =	shalt  }
0x6b: {  	_ =	shalt  }
0x6c: {  	_ =	shalt  }
0x6d: {  	_ =	shalt  }
0x6e: {  	_ =	shalt  }
0x6f: {  	_ =	shalt  }
0x70: {  	_ =	shalt  }
0x71: {  	_ =	shalt  }
0x72: {  	_ =	shalt  }
0x73: {  	_ =	shalt  }
0x74: {  	_ =	shalt  }
0x75: {  	_ =	shalt  }
0x76: {  	_ =	shalt  }
0x77: {  	_ =	shalt  }
0x78: {  	_ =	shalt  }
0x79: {  	_ =	shalt  }
0x7a: {  	_ =	shalt  }
0x7b: {  	_ =	shalt  }
0x7c: {  	_ =	shalt  }
0x7d: {  	_ =	shalt  }
0x7e: {  	_ =	shalt  }
0x7f: {  	_ =	shalt  }
0x80: {  	_ =	shalt  }
0x81: {  	_ =	shalt  }
0x82: {  	_ =	shalt  }
0x83: {  	_ =	shalt  }
0x84: {  	_ =	shalt  }
0x85: {  	_ =	shalt  }
0x86: {  	_ =	shalt  }
0x87: {  	_ =	shalt  }
.Lfunc_end0:
.L_simem_size_0:
called_computation_lowered:
.L_overlay_start_0:
0x88: {  	s2 =	sld [smem:$0x3FD9]  }
0x89: {  	s3 =	sld [smem:$0x3FFE];
	_ =	sdelay $0x1  }
0x8a: {  	s1 =	srdreg.scid  }
0x8b: {  	s0 =	sand.u32 $0x1, s1  }
0x8c: {  	s17 =	sshll.u32 s0, $0xA;
	s2 =	sadd.s32 s3, s2  }
0x8d: {  	s2 =	sadd.s32 s2, s17  }
0x8e: {  	[smem:$0x3FC6] =	sst s2  }
0x8f: {  	_ = 	snop  }
0x90: {  	s2 =	sld [smem:$0x3FC8];
	(tm) =	ssettm $0x1  }
0x91: {  	s18 =	sld [smem:$0x3FFB];
	_ =	sdelay $0x3  }
0x92: {  	_ =	strace s18  }
0x93: {  	s3 =	sld [smem:$0x3FFC];
	_ =	sdelay $0x3  }
0x94: {  	_ =	strace s3  }
0x95: {  	s3 =	sld [smem:$0x3FFD];
	_ =	sdelay $0x3  }
0x96: {  	_ =	strace s3  }
0x97: {  	_ =	strace $0x8FFFFFFF  }
0x98: {  	s19 =	sld [smem:$0x3FDB];
	_ =	sdelay $0x1  }
0x99: {  	s4 =	simm.s32 $_scs_section_size  }
0x9a: {  	s5 =	simm.s32 $_size__tile_overlayer_lowered;
	s6 =	simm.s32 $_tile_overlayer_lowered  }
0x9b: {  	s22 =	simm.s32 $0x1BFF;
	s21 =	sshll.u32 s6, $0x1;
	s3 =	sadd.s32 s4, s19  }
0x9c: {  	s7 =	simm.s32 $0x0;
	s20 =	sshll.u32 s5, $0x1;
	s5 =	sadd.s32 s21, s3  }
0x9d: {  	[timem:s7], [sflag:s22] =	dma.local [hbm:s5], s20  }
0x9e: {  	_ =	swait.ge [sflag:s22], s20  }
0x9f: {  	s4 =	ssub.s32 $0x0, s20;
	[sflag:s22] =	ssyncset.done $0x0  }
0xa0: {  	[sflag:s22] =	ssyncadd.s32 s4;
	_ =	sdelay $0x1  }
0xa1: {  	s23 =	simm.s32 $0x1B8B  }
0xa2: {  	_ =	swait.ge [sflag:s23], $0x1  }
0xa3: {  	[sflag:s23] =	ssyncset.done $0x0  }
0xa4: {  	s25 =	simm.s32 $0x1B8E;
	s24 =	sld [smem:$0x3FFE];
	[sflag:s23] =	ssyncadd.s32 $0xFFFFFFFF  }
0xa5: {  	s26 =	simm.s32 $execute0_lowered;
	[smem:$0x3FD2] =	sst s25  }
0xa6: {  	s5 =	sshll.u32 s26, $0x1;
	_ =	strace $0x80000046;
	[dreg:$0x1] =	wrdreg $0xFFFFFFFF  }
0xa7: {  	s28 =	simm.s32 $_size_execute0_lowered;
	s3 =	sadd.s32 s3, s5;
	[dreg:$0x0] =	wrdreg $0x0  }
0xa8: {  	s5 =	sshll.u32 s28, $0x1;
	[dreg:$0x2] =	wrdreg s3  }
0xa9: {  	[dreg:$0x3] =	wrdreg s5  }
0xaa: {  	[dreg:$0x4] =	wrdreg $0xC0  }
0xab: {  	_ =	task [dreg:s7], $0x5FFFF  }
0xac: {  	[dreg:$0x1] =	wrdreg $0xFFFFFFFF  }
0xad: {  	[dreg:$0x0] =	wrdreg $0x60  }
0xae: {  	[dreg:$0x2] =	wrdreg s24  }
0xaf: {  	[dreg:$0x3] =	wrdreg s2  }
0xb0: {  	[dreg:$0x4] =	wrdreg $0x9  }
0xb1: {  	_ =	task.clear_ibuf [dreg:s7], $0x5FFFF;
	_ =	strace $0x90000046  }
0xb2: {  	s29 =	simm.s32 $0x9;
	_ =	strace $0x80000048  }
0xb3: {  	_ =	swait.ge [sflag:s29], $0x1  }
0xb4: {  	[sflag:s29] =	ssyncadd.s32 $0xFFFFFFFF  }
0xb5: {  	_ =	strace $0x90000048  }
0xb6: {  	_ =	sfence  }
0xb7: {  	s30 =	sld [smem:$0x0];
	_ =	sdelay $0x2  }
0xb8: {  	s31 =	sshll.u32 s1, $0xD;
	s1 =	sshrl.u32 s1, $0x2  }
0xb9: {  	s3 =	sand.u32 $0x4000, s31;
	s1 =	sadd.s32 s1, s30  }
0xba: {  	s0 =	sor.u32 s3, s0;
	s1 =	sshll.u32 s1, $0x11  }
0xbb: {  	s0 =	sor.u32 s1, s0  }
0xbc: {  	s0 =	sadd.s32 $0x8F2B, s0  }
0xbd: {  	[sflag:s0] =	ssyncadd.remote.s32 $0x1  }
0xbe: {  	_ =	sfence.sel $0xFFFF  }
0xbf: {  	[dreg:$0x0] =	wrdreg $0xFFFFFFFF;
	(pc) =	sbr.abs _section_cstart, $3  }
0xc0: {  	[dreg:$0x1] =	wrdreg $0xFFFFFFFF  }
0xc1: {  	_ =	task.clear_ibuf [dreg:s7], $0x2FFFF;
	_ =	strace $0x9FFFFFFF  }
0xc2: {  	(tm) =	ssettm $0x7FFFFFFF  }
0xc3: {  	_ =	shalt  }
tec
execute0_lowered:
.L_overlay_start_1:
0x0: {  	(tag) =	ssettag $0x1  }
0x1: {  	s0 =	rddreg [dreg:$0x0]  }
0x2: {  	s3 =	simm.s32 $0x0;
	s1 =	srdreg.scid;
	s2 =	stileid.u32  }
0x3: {  	s17 =	simm.s32 $0x7;
	s18 =	simm.s32 $0x80;
	s20 =	simm.s32 $0x8080  }
0x4: {  	s21 =	simm.s32 $0x1;
	s22 =	simm.s32 $0xC080;
	s23 =	simm.s32 $0x2  }
0x5: {  	s28 =	simm.s32 $0x4;
	s29 =	simm.s32 $0x5;
	s30 =	simm.s32 $0x6  }
0x6: {  	s31 =	simm.s32 $0x0;
	[smem:$0x7FF] =	sst s3;
	s1 =	sand.u32 $0x1, s1  }
0x7: {  	s2 =	sshll.u32 s2, $0xE;
	s4 =	sadd.s32 $0x400, s0;
	s5 =	sshll.u32 s1, $0xD  }
0x8: {  	s6 =	sadd.s32 $0x400400, s0;
	s1 =	ssub.s32 $0x2, s1;
	s5 =	sor.u32 s5, s2  }
0x9: {  	_ =	strace $0x80000047;
	s24 =	sshrl.u32 s1, $0x1;
	s2 =	sshll.u32 s5, $0x4  }
0xa: {  	s0 =	ssub.s32 s1, s24;
	s25 =	sshll.u32 s5, $0x7;
	s11 =	sor.u32 $0x80, s5  }
0xb: {  	s13 =	sor.u32 $0x100, s5;
	s24 =	simm.s32 $0x10080;
	s7 =	sadd.s32 s4, s2  }
0xc: {  	s10 =	sor.u32 $0xC000, s25;
	s12 =	sor.u32 $0x10000, s25;
	s2 =	sadd.s32 s2, s6  }
0xd: {  	s14 =	sor.u32 $0x14000, s25;
	s16 =	smax.u32 s0, $0x1;
	s8 =	sadd.s32 $0x800, s7  }
0xe: {  	s25 =	simm.s32 $0x3;
	s26 =	sadd.s32 $0x1000, s7;
	[dreg:$0x3] =	wrdreg s8  }
0xf: {  	s15 =	sadd.s32 $0x1F800, s2;
	[dreg:$0x4] =	wrdreg s26;
	s26 =	simm.s32 $0x14080  }
.LBB2_1:
0x10: {  	s0 =	rddreg [dreg:$0x1]  }
0x11: {  	[tilespmem:s3], [sflag:$0x7] =	stream.linear.gather [hbm4b:s0+s3], $0x80, $0x38;
	[tilespmem:$0x18080] =	vst v63  }
0x12: {  	_ =	swait.ge [sflag:s17], $0x80  }
0x13: {  	[sflag:s17] =	ssyncset.done $0x0  }
0x14: {  	[sflag:s17] =	ssyncadd.s32 $0xFFFFFF80  }
0x15: {  	v1 =	vld [tilespmem:$0x30]  }
0x16: {  	v0 =	vld [tilespmem:$0x20];
	_ =	sdelay $0x2  }
0x17: {  	s1 =	simm.s32 $0x1000;
	s0 =	simm.s32 $0x0  }
.LBB2_2:
0x18: {  	p0 =	sne.s32 s1, $0xF000;
	[tilespmem:s0+$0x14430] =	vst v1  }
0x19: {  	[tilespmem:s0+$0xC0A0] =	vst v0  }
0x1a: {  	[tilespmem:s0+$0xC0B0] =	vst v1  }
0x1b: {  	[tilespmem:s0+$0x100A0] =	vst v0  }
0x1c: {  	[tilespmem:s0+$0x100B0] =	vst v1  }
0x1d: {  	[tilespmem:s0+$0x140A0] =	vst v0  }
0x1e: {  	[tilespmem:s0+$0x140B0] =	vst v1  }
0x1f: {  	[tilespmem:s0+$0xC120] =	vst v0  }
0x20: {  	[tilespmem:s0+$0xC130] =	vst v1  }
0x21: {  	[tilespmem:s0+$0x10120] =	vst v0  }
0x22: {  	[tilespmem:s0+$0x10130] =	vst v1  }
0x23: {  	[tilespmem:s0+$0x14120] =	vst v0  }
0x24: {  	[tilespmem:s0+$0x14130] =	vst v1  }
0x25: {  	[tilespmem:s0+$0xC1A0] =	vst v0  }
0x26: {  	[tilespmem:s0+$0xC1B0] =	vst v1  }
0x27: {  	[tilespmem:s0+$0x101A0] =	vst v0  }
0x28: {  	[tilespmem:s0+$0x101B0] =	vst v1  }
0x29: {  	[tilespmem:s0+$0x141A0] =	vst v0  }
0x2a: {  	[tilespmem:s0+$0x141B0] =	vst v1  }
0x2b: {  	[tilespmem:s0+$0xC220] =	vst v0  }
0x2c: {  	[tilespmem:s0+$0xC230] =	vst v1  }
0x2d: {  	[tilespmem:s0+$0x10220] =	vst v0  }
0x2e: {  	[tilespmem:s0+$0x10230] =	vst v1  }
0x2f: {  	[tilespmem:s0+$0x14220] =	vst v0  }
0x30: {  	[tilespmem:s0+$0x14230] =	vst v1  }
0x31: {  	[tilespmem:s0+$0xC2A0] =	vst v0  }
0x32: {  	[tilespmem:s0+$0xC2B0] =	vst v1  }
0x33: {  	[tilespmem:s0+$0x102A0] =	vst v0  }
0x34: {  	[tilespmem:s0+$0x102B0] =	vst v1  }
0x35: {  	[tilespmem:s0+$0x142A0] =	vst v0  }
0x36: {  	[tilespmem:s0+$0x142B0] =	vst v1  }
0x37: {  	[tilespmem:s0+$0xC320] =	vst v0  }
0x38: {  	[tilespmem:s0+$0xC330] =	vst v1  }
0x39: {  	[tilespmem:s0+$0x10320] =	vst v0  }
0x3a: {  	[tilespmem:s0+$0x10330] =	vst v1  }
0x3b: {  	[tilespmem:s0+$0x14320] =	vst v0  }
0x3c: {  	[tilespmem:s0+$0x14330] =	vst v1  }
0x3d: {  	[tilespmem:s0+$0xC3A0] =	vst v0  }
0x3e: {  	[tilespmem:s0+$0xC3B0] =	vst v1  }
0x3f: {  	[tilespmem:s0+$0x103A0] =	vst v0  }
0x40: {  	[tilespmem:s0+$0x103B0] =	vst v1  }
0x41: {  	[tilespmem:s0+$0x143A0] =	vst v0  }
0x42: {  	[tilespmem:s0+$0x143B0] =	vst v1  }
.Ltmp0:
0x43: {  	[tilespmem:s0+$0xC420] =	vst v0;
	(pc) =	sbr.rel @p0 .LBB2_2-.Ltmp0, $4  }
0x44: {  	[tilespmem:s0+$0xC430] =	vst v1  }
0x45: {  	[tilespmem:s0+$0x10420] =	vst v0  }
0x46: {  	[tilespmem:s0+$0x10430] =	vst v1  }
0x47: {  	[tilespmem:s0+$0x14420] =	vst v0;
	s0 =	sshra.s32 s1, $0x2;
	s1 =	sadd.s32 $0x1000, s1  }
0x48: {  	[tilespmem:s0+$0x14430] =	vst v1  }
0x49: {  	[tilespmem:s0+$0xC0A0] =	vst v0  }
0x4a: {  	[tilespmem:s0+$0xC0B0] =	vst v1  }
0x4b: {  	[tilespmem:s0+$0x100A0] =	vst v0  }
0x4c: {  	[tilespmem:s0+$0x100B0] =	vst v1  }
0x4d: {  	[tilespmem:s0+$0x140A0] =	vst v0  }
0x4e: {  	[tilespmem:s0+$0x140B0] =	vst v1  }
0x4f: {  	[tilespmem:s0+$0xC120] =	vst v0  }
0x50: {  	[tilespmem:s0+$0xC130] =	vst v1  }
0x51: {  	[tilespmem:s0+$0x10120] =	vst v0  }
0x52: {  	[tilespmem:s0+$0x10130] =	vst v1  }
0x53: {  	[tilespmem:s0+$0x14120] =	vst v0  }
0x54: {  	[tilespmem:s0+$0x14130] =	vst v1  }
0x55: {  	[tilespmem:s0+$0xC1A0] =	vst v0  }
0x56: {  	[tilespmem:s0+$0xC1B0] =	vst v1  }
0x57: {  	[tilespmem:s0+$0x101A0] =	vst v0  }
0x58: {  	[tilespmem:s0+$0x101B0] =	vst v1  }
0x59: {  	[tilespmem:s0+$0x141A0] =	vst v0  }
0x5a: {  	[tilespmem:s0+$0x141B0] =	vst v1  }
0x5b: {  	[tilespmem:s0+$0xC220] =	vst v0  }
0x5c: {  	[tilespmem:s0+$0xC230] =	vst v1  }
0x5d: {  	[tilespmem:s0+$0x10220] =	vst v0  }
0x5e: {  	[tilespmem:s0+$0x10230] =	vst v1  }
0x5f: {  	[tilespmem:s0+$0x14220] =	vst v0  }
0x60: {  	[tilespmem:s0+$0x14230] =	vst v1  }
0x61: {  	[tilespmem:s0+$0xC2A0] =	vst v0  }
0x62: {  	[tilespmem:s0+$0xC2B0] =	vst v1  }
0x63: {  	[tilespmem:s0+$0x102A0] =	vst v0  }
0x64: {  	[tilespmem:s0+$0x102B0] =	vst v1  }
0x65: {  	[tilespmem:s0+$0x142A0] =	vst v0  }
0x66: {  	[tilespmem:s0+$0x142B0] =	vst v1  }
0x67: {  	[tilespmem:s0+$0xC320] =	vst v0  }
0x68: {  	[tilespmem:s0+$0xC330] =	vst v1  }
0x69: {  	[tilespmem:s0+$0x10320] =	vst v0  }
0x6a: {  	[tilespmem:s0+$0x10330] =	vst v1  }
0x6b: {  	[tilespmem:s0+$0x14320] =	vst v0  }
0x6c: {  	[tilespmem:s0+$0x14330] =	vst v1  }
0x6d: {  	[tilespmem:s0+$0xC3A0] =	vst v0  }
0x6e: {  	[tilespmem:s0+$0xC3B0] =	vst v1  }
0x6f: {  	[tilespmem:s0+$0x103A0] =	vst v0  }
0x70: {  	[tilespmem:s0+$0x103B0] =	vst v1  }
0x71: {  	[tilespmem:s0+$0x143A0] =	vst v0  }
0x72: {  	[tilespmem:s0+$0x143B0] =	vst v1  }
0x73: {  	[tilespmem:s0+$0xC420] =	vst v0  }
0x74: {  	[tilespmem:s0+$0xC430] =	vst v1  }
0x75: {  	[tilespmem:s0+$0x10420] =	vst v0  }
0x76: {  	[tilespmem:s0+$0x10430] =	vst v1  }
0x77: {  	[tilespmem:s0+$0x14420] =	vst v0;
	s0 =	simm.s32 $0x0  }
0x78: {  	[tilespmem:s18], [sflag:$0x1] =	stream.linear.gather [hbm4b:s7+s0], $0x4000, $0x38;
	[tilespmem:$0x18080] =	vst v63  }
0x79: {  	s1 =	rddreg [dreg:$0x3];
	s2 =	simm.s32 $0x4080  }
0x7a: {  	[tilespmem:s2], [sflag:$0x2] =	stream.linear.gather [hbm4b:s1+s0], $0x4000, $0x38;
	[tilespmem:$0x18080] =	vst v63  }
0x7b: {  	s19 =	rddreg [dreg:$0x4]  }
0x7c: {  	[tilespmem:s20], [sflag:$0x3] =	stream.linear.gather [hbm4b:s19+s0], $0x4000, $0x38;
	[tilespmem:$0x18080] =	vst v63  }
.LBB2_4:
0x7d: {  	p0 =	seq.s32 s0, $0x0  }
0x7e: {  	s1 =	simm.s32 @!p0 $0x4  }
0x7f: {  	_ =	swait.ge @!p0 [sflag:s1], $0x4000  }
0x80: {  	[sflag:s1] =	ssyncset.done @!p0 $0x0  }
0x81: {  	[sflag:s1] =	ssyncadd.s32 @!p0 $0xFFFFC000  }
0x82: {  	_ =	swait.ge [sflag:s21], $0x4000  }
0x83: {  	[sflag:s21] =	ssyncset.done $0x0  }
0x84: {  	s1 =	simm.s32 $0x0;
	[sflag:s21] =	ssyncadd.s32 $0xFFFFC000  }
0x85: {  	v0 =	vld [tilespmem:s1+$0x410]  }
0x86: {  	v1 =	vld [tilespmem:s1+$0x80]  }
0x87: {  	v2 =	vld [tilespmem:s1+$0x90]  }
0x88: {  	v3 =	vld [tilespmem:s1+$0x100]  }
0x89: {  	v4 =	vld [tilespmem:s1+$0x110]  }
0x8a: {  	v5 =	vld [tilespmem:s1+$0x180];
	[tilespmem:s1+$0xC410] =	vst v0  }
0x8b: {  	[tilespmem:s1+$0xC080] =	vst v1;
	v0 =	vld [tilespmem:s1+$0x190]  }
0x8c: {  	[tilespmem:s1+$0xC090] =	vst v2;
	v1 =	vld [tilespmem:s1+$0x200]  }
0x8d: {  	[tilespmem:s1+$0xC100] =	vst v3;
	v2 =	vld [tilespmem:s1+$0x210]  }
0x8e: {  	[tilespmem:s1+$0xC110] =	vst v4;
	v3 =	vld [tilespmem:s1+$0x280]  }
0x8f: {  	[tilespmem:s1+$0xC180] =	vst v5;
	v4 =	vld [tilespmem:s1+$0x290]  }
0x90: {  	[tilespmem:s1+$0xC190] =	vst v0;
	v0 =	vld [tilespmem:s1+$0x300]  }
0x91: {  	[tilespmem:s1+$0xC200] =	vst v1;
	v1 =	vld [tilespmem:s1+$0x310]  }
0x92: {  	[tilespmem:s1+$0xC210] =	vst v2;
	v2 =	vld [tilespmem:s1+$0x380]  }
0x93: {  	[tilespmem:s1+$0xC280] =	vst v3;
	v3 =	vld [tilespmem:s1+$0x390]  }
0x94: {  	s2 =	simm.s32 $0x400;
	s8 =	simm.s32 $0x2000;
	[tilespmem:s1+$0xC290] =	vst v4;
	v4 =	vld [tilespmem:s1+$0x400]  }
.LBB2_5:
0x95: {  	p1 =	sne.s32 s8, $0xF000;
	v5 =	vld [tilespmem:s2+$0x410];
	[tilespmem:s1+$0xC300] =	vst v0  }
0x96: {  	v0 =	vld [tilespmem:s2+$0x80];
	[tilespmem:s1+$0xC310] =	vst v1  }
0x97: {  	v1 =	vld [tilespmem:s2+$0x90];
	[tilespmem:s1+$0xC380] =	vst v2  }
0x98: {  	v2 =	vld [tilespmem:s2+$0x100];
	[tilespmem:s1+$0xC390] =	vst v3  }
0x99: {  	v3 =	vld [tilespmem:s2+$0x110];
	[tilespmem:s1+$0xC400] =	vst v4;
	s1 =	smov.u32 s2  }
0x9a: {  	v4 =	vld [tilespmem:s1+$0x180];
	[tilespmem:s1+$0xC410] =	vst v5  }
0x9b: {  	[tilespmem:s1+$0xC080] =	vst v0;
	v0 =	vld [tilespmem:s1+$0x190]  }
0x9c: {  	[tilespmem:s1+$0xC090] =	vst v1;
	v1 =	vld [tilespmem:s1+$0x200]  }
0x9d: {  	[tilespmem:s1+$0xC100] =	vst v2;
	v2 =	vld [tilespmem:s1+$0x210]  }
0x9e: {  	[tilespmem:s1+$0xC110] =	vst v3;
	v3 =	vld [tilespmem:s1+$0x280]  }
0x9f: {  	[tilespmem:s1+$0xC180] =	vst v4;
	v4 =	vld [tilespmem:s1+$0x290]  }
.Ltmp1:
0xa0: {  	[tilespmem:s1+$0xC190] =	vst v0;
	v0 =	vld [tilespmem:s1+$0x300];
	(pc) =	sbr.rel @p1 .LBB2_5-.Ltmp1, $4  }
0xa1: {  	[tilespmem:s1+$0xC200] =	vst v1;
	v1 =	vld [tilespmem:s1+$0x310]  }
0xa2: {  	[tilespmem:s1+$0xC210] =	vst v2;
	v2 =	vld [tilespmem:s1+$0x380]  }
0xa3: {  	[tilespmem:s1+$0xC280] =	vst v3;
	v3 =	vld [tilespmem:s1+$0x390]  }
0xa4: {  	s2 =	sshra.s32 s8, $0x2;
	s8 =	sadd.s32 $0x1000, s8;
	[tilespmem:s1+$0xC290] =	vst v4;
	v4 =	vld [tilespmem:s1+$0x400]  }
0xa5: {  	v5 =	vld [tilespmem:s2+$0x410];
	[tilespmem:s1+$0xC300] =	vst v0  }
0xa6: {  	v0 =	vld [tilespmem:s2+$0x80];
	[tilespmem:s1+$0xC310] =	vst v1  }
0xa7: {  	v1 =	vld [tilespmem:s2+$0x90];
	[tilespmem:s1+$0xC380] =	vst v2  }
0xa8: {  	v2 =	vld [tilespmem:s2+$0x100];
	[tilespmem:s1+$0xC390] =	vst v3  }
0xa9: {  	v3 =	vld [tilespmem:s2+$0x110];
	[tilespmem:s1+$0xC400] =	vst v4  }
0xaa: {  	v4 =	vld [tilespmem:s2+$0x180];
	[tilespmem:s2+$0xC410] =	vst v5  }
0xab: {  	[tilespmem:s2+$0xC080] =	vst v0;
	v0 =	vld [tilespmem:s2+$0x190]  }
0xac: {  	[tilespmem:s2+$0xC090] =	vst v1;
	v1 =	vld [tilespmem:s2+$0x200]  }
0xad: {  	[tilespmem:s2+$0xC100] =	vst v2;
	v2 =	vld [tilespmem:s2+$0x210]  }
0xae: {  	[tilespmem:s2+$0xC110] =	vst v3;
	v3 =	vld [tilespmem:s2+$0x280]  }
0xaf: {  	[tilespmem:s2+$0xC180] =	vst v4;
	v4 =	vld [tilespmem:s2+$0x290]  }
0xb0: {  	[tilespmem:s2+$0xC190] =	vst v0;
	v0 =	vld [tilespmem:s2+$0x300]  }
0xb1: {  	[tilespmem:s2+$0xC200] =	vst v1;
	v1 =	vld [tilespmem:s2+$0x310]  }
0xb2: {  	[tilespmem:s2+$0xC210] =	vst v2;
	v2 =	vld [tilespmem:s2+$0x380]  }
0xb3: {  	[tilespmem:s2+$0xC280] =	vst v3;
	v3 =	vld [tilespmem:s2+$0x390]  }
0xb4: {  	[tilespmem:s2+$0xC290] =	vst v4;
	v4 =	vld [tilespmem:s2+$0x400]  }
0xb5: {  	s1 =	smul.u32 $0x180, s0;
	[tilespmem:s2+$0xC300] =	vst v0  }
0xb6: {  	[tilespmem:s2+$0xC310] =	vst v1  }
0xb7: {  	s8 =	sadd.s32 s5, s1;
	[tilespmem:s2+$0xC380] =	vst v2  }
0xb8: {  	s8 =	sshll.u32 s8, $0x4;
	[tilespmem:s2+$0xC390] =	vst v3  }
0xb9: {  	s8 =	sadd.s32 s6, s8;
	[tilespmem:s2+$0xC400] =	vst v4;
	s2 =	smul.u32 $0xC000, s0  }
0xba: {  	[hbm4b:s8+s3] =	stream.linear.scatter [tilespmem:s22], [sflag:$0x4], $0x4000, $0x38;
	[tilespmem:$0x18080] =	vst v63  }
0xbb: {  	s19 =	sadd.s32 s10, s2  }
0xbc: {  	s8 =	sshrl.u32 s19, $0x3  }
0xbd: {  	s8 =	sadd.s32 s4, s8  }
0xbe: {  	[tilespmem:s18], [sflag:$0x1] =	stream.linear.gather [hbm4b:s8+s3], $0x4000, $0x38;
	[tilespmem:$0x18080] =	vst v63  }
0xbf: {  	s8 =	simm.s32 @!p0 $0x5  }
0xc0: {  	_ =	swait.ge @!p0 [sflag:s8], $0x4000  }
0xc1: {  	[sflag:s8] =	ssyncset.done @!p0 $0x0  }
0xc2: {  	[sflag:s8] =	ssyncadd.s32 @!p0 $0xFFFFC000  }
0xc3: {  	_ =	swait.ge [sflag:s23], $0x4000  }
0xc4: {  	[sflag:s23] =	ssyncset.done $0x0  }
0xc5: {  	s19 =	simm.s32 $0x0;
	[sflag:s23] =	ssyncadd.s32 $0xFFFFC000  }
0xc6: {  	v0 =	vld [tilespmem:s19+$0x4410]  }
0xc7: {  	v1 =	vld [tilespmem:s19+$0x4080]  }
0xc8: {  	v2 =	vld [tilespmem:s19+$0x4090]  }
0xc9: {  	v3 =	vld [tilespmem:s19+$0x4100]  }
0xca: {  	v4 =	vld [tilespmem:s19+$0x4110]  }
0xcb: {  	v5 =	vld [tilespmem:s19+$0x4180];
	[tilespmem:s19+$0x10410] =	vst v0  }
0xcc: {  	[tilespmem:s19+$0x10080] =	vst v1;
	v0 =	vld [tilespmem:s19+$0x4190]  }
0xcd: {  	[tilespmem:s19+$0x10090] =	vst v2;
	v1 =	vld [tilespmem:s19+$0x4200]  }
0xce: {  	[tilespmem:s19+$0x10100] =	vst v3;
	v2 =	vld [tilespmem:s19+$0x4210]  }
0xcf: {  	[tilespmem:s19+$0x10110] =	vst v4;
	v3 =	vld [tilespmem:s19+$0x4280]  }
0xd0: {  	[tilespmem:s19+$0x10180] =	vst v5;
	v4 =	vld [tilespmem:s19+$0x4290]  }
0xd1: {  	[tilespmem:s19+$0x10190] =	vst v0;
	v0 =	vld [tilespmem:s19+$0x4300]  }
0xd2: {  	[tilespmem:s19+$0x10200] =	vst v1;
	v1 =	vld [tilespmem:s19+$0x4310]  }
0xd3: {  	[tilespmem:s19+$0x10210] =	vst v2;
	v2 =	vld [tilespmem:s19+$0x4380]  }
0xd4: {  	[tilespmem:s19+$0x10280] =	vst v3;
	v3 =	vld [tilespmem:s19+$0x4390]  }
0xd5: {  	s9 =	simm.s32 $0x2000;
	s8 =	simm.s32 $0x400;
	[tilespmem:s19+$0x10290] =	vst v4;
	v4 =	vld [tilespmem:s19+$0x4400]  }
.LBB2_7:
0xd6: {  	p0 =	sne.s32 s9, $0xF000;
	v5 =	vld [tilespmem:s8+$0x4410];
	[tilespmem:s19+$0x10300] =	vst v0  }
0xd7: {  	v0 =	vld [tilespmem:s8+$0x4080];
	[tilespmem:s19+$0x10310] =	vst v1  }
0xd8: {  	v1 =	vld [tilespmem:s8+$0x4090];
	[tilespmem:s19+$0x10380] =	vst v2  }
0xd9: {  	v2 =	vld [tilespmem:s8+$0x4100];
	[tilespmem:s19+$0x10390] =	vst v3  }
0xda: {  	v3 =	vld [tilespmem:s8+$0x4110];
	[tilespmem:s19+$0x10400] =	vst v4;
	s19 =	smov.u32 s8  }
0xdb: {  	v4 =	vld [tilespmem:s19+$0x4180];
	[tilespmem:s19+$0x10410] =	vst v5  }
0xdc: {  	[tilespmem:s19+$0x10080] =	vst v0;
	v0 =	vld [tilespmem:s19+$0x4190]  }
0xdd: {  	[tilespmem:s19+$0x10090] =	vst v1;
	v1 =	vld [tilespmem:s19+$0x4200]  }
0xde: {  	[tilespmem:s19+$0x10100] =	vst v2;
	v2 =	vld [tilespmem:s19+$0x4210]  }
0xdf: {  	[tilespmem:s19+$0x10110] =	vst v3;
	v3 =	vld [tilespmem:s19+$0x4280]  }
0xe0: {  	[tilespmem:s19+$0x10180] =	vst v4;
	v4 =	vld [tilespmem:s19+$0x4290]  }
.Ltmp2:
0xe1: {  	[tilespmem:s19+$0x10190] =	vst v0;
	v0 =	vld [tilespmem:s19+$0x4300];
	(pc) =	sbr.rel @p0 .LBB2_7-.Ltmp2, $4  }
0xe2: {  	[tilespmem:s19+$0x10200] =	vst v1;
	v1 =	vld [tilespmem:s19+$0x4310]  }
0xe3: {  	[tilespmem:s19+$0x10210] =	vst v2;
	v2 =	vld [tilespmem:s19+$0x4380]  }
0xe4: {  	[tilespmem:s19+$0x10280] =	vst v3;
	v3 =	vld [tilespmem:s19+$0x4390]  }
0xe5: {  	s8 =	sshra.s32 s9, $0x2;
	s9 =	sadd.s32 $0x1000, s9;
	[tilespmem:s19+$0x10290] =	vst v4;
	v4 =	vld [tilespmem:s19+$0x4400]  }
0xe6: {  	v5 =	vld [tilespmem:s8+$0x4410];
	[tilespmem:s19+$0x10300] =	vst v0  }
0xe7: {  	v0 =	vld [tilespmem:s8+$0x4080];
	[tilespmem:s19+$0x10310] =	vst v1  }
0xe8: {  	v1 =	vld [tilespmem:s8+$0x4090];
	[tilespmem:s19+$0x10380] =	vst v2  }
0xe9: {  	v2 =	vld [tilespmem:s8+$0x4100];
	[tilespmem:s19+$0x10390] =	vst v3  }
0xea: {  	v3 =	vld [tilespmem:s8+$0x4110];
	[tilespmem:s19+$0x10400] =	vst v4  }
0xeb: {  	v4 =	vld [tilespmem:s8+$0x4180];
	[tilespmem:s8+$0x10410] =	vst v5  }
0xec: {  	[tilespmem:s8+$0x10080] =	vst v0;
	v0 =	vld [tilespmem:s8+$0x4190]  }
0xed: {  	[tilespmem:s8+$0x10090] =	vst v1;
	v1 =	vld [tilespmem:s8+$0x4200]  }
0xee: {  	[tilespmem:s8+$0x10100] =	vst v2;
	v2 =	vld [tilespmem:s8+$0x4210]  }
0xef: {  	[tilespmem:s8+$0x10110] =	vst v3;
	v3 =	vld [tilespmem:s8+$0x4280]  }
0xf0: {  	[tilespmem:s8+$0x10180] =	vst v4;
	v4 =	vld [tilespmem:s8+$0x4290]  }
0xf1: {  	[tilespmem:s8+$0x10190] =	vst v0;
	v0 =	vld [tilespmem:s8+$0x4300]  }
0xf2: {  	[tilespmem:s8+$0x10200] =	vst v1;
	v1 =	vld [tilespmem:s8+$0x4310]  }
0xf3: {  	[tilespmem:s8+$0x10210] =	vst v2;
	v2 =	vld [tilespmem:s8+$0x4380]  }
0xf4: {  	[tilespmem:s8+$0x10280] =	vst v3;
	v3 =	vld [tilespmem:s8+$0x4390]  }
0xf5: {  	[tilespmem:s8+$0x10290] =	vst v4;
	v4 =	vld [tilespmem:s8+$0x4400]  }
0xf6: {  	[tilespmem:s8+$0x10300] =	vst v0  }
0xf7: {  	[tilespmem:s8+$0x10310] =	vst v1  }
0xf8: {  	s9 =	sadd.s32 s1, s11;
	[tilespmem:s8+$0x10380] =	vst v2  }
0xf9: {  	p0 =	seq.s32 s0, $0x14;
	s9 =	sshll.u32 s9, $0x4;
	[tilespmem:s8+$0x10390] =	vst v3  }
0xfa: {  	p1 =	seq.s32 @!p0 s0, $0x0;
	s19 =	sadd.s32 s6, s9;
	[tilespmem:s8+$0x10400] =	vst v4;
	s8 =	sadd.s32 @!p0 s12, s2  }
0xfb: {  	[hbm4b:s19+s3] =	stream.linear.scatter [tilespmem:s24], [sflag:$0x5], $0x4000, $0x38;
	[tilespmem:$0x18080] =	vst v63  }
0xfc: {  	p1 =	por p0, !p1;
	s8 =	sshrl.u32 @!p0 s8, $0x3  }
0xfd: {  	s9 =	simm.s32 @!p0 $0x0;
	s19 =	simm.s32 @!p0 $0x4080;
	s8 =	sadd.s32 @!p0 s4, s8  }
0xfe: {  	[tilespmem:s19], [sflag:$0x2] =	stream.linear.gather @!p0 [hbm4b:s8+s9], $0x4000, $0x38;
	[tilespmem:$0x18080] =	vst v63  }
0xff: {  	_ =	swait.ge @p1 [sflag:s30], $0x4000  }
0x100: {  	[sflag:s30] =	ssyncset.done @p1 $0x0  }
0x101: {  	[sflag:s30] =	ssyncadd.s32 @p1 $0xFFFFC000  }
0x102: {  	_ =	swait.ge [sflag:s25], $0x4000  }
0x103: {  	[sflag:s25] =	ssyncset.done $0x0  }
0x104: {  	s19 =	simm.s32 $0x0;
	[sflag:s25] =	ssyncadd.s32 $0xFFFFC000  }
0x105: {  	v0 =	vld [tilespmem:s19+$0x8410]  }
0x106: {  	v1 =	vld [tilespmem:s19+$0x8080]  }
0x107: {  	v2 =	vld [tilespmem:s19+$0x8090]  }
0x108: {  	v3 =	vld [tilespmem:s19+$0x8100]  }
0x109: {  	v4 =	vld [tilespmem:s19+$0x8110]  }
0x10a: {  	v5 =	vld [tilespmem:s19+$0x8180];
	[tilespmem:s19+$0x14410] =	vst v0  }
0x10b: {  	[tilespmem:s19+$0x14080] =	vst v1;
	v0 =	vld [tilespmem:s19+$0x8190]  }
0x10c: {  	[tilespmem:s19+$0x14090] =	vst v2;
	v1 =	vld [tilespmem:s19+$0x8200]  }
0x10d: {  	[tilespmem:s19+$0x14100] =	vst v3;
	v2 =	vld [tilespmem:s19+$0x8210]  }
0x10e: {  	[tilespmem:s19+$0x14110] =	vst v4;
	v3 =	vld [tilespmem:s19+$0x8280]  }
0x10f: {  	[tilespmem:s19+$0x14180] =	vst v5;
	v4 =	vld [tilespmem:s19+$0x8290]  }
0x110: {  	[tilespmem:s19+$0x14190] =	vst v0;
	v0 =	vld [tilespmem:s19+$0x8300]  }
0x111: {  	[tilespmem:s19+$0x14200] =	vst v1;
	v1 =	vld [tilespmem:s19+$0x8310]  }
0x112: {  	[tilespmem:s19+$0x14210] =	vst v2;
	v2 =	vld [tilespmem:s19+$0x8380]  }
0x113: {  	[tilespmem:s19+$0x14280] =	vst v3;
	v3 =	vld [tilespmem:s19+$0x8390]  }
0x114: {  	s8 =	simm.s32 $0x400;
	s9 =	simm.s32 $0x2000;
	[tilespmem:s19+$0x14290] =	vst v4;
	v4 =	vld [tilespmem:s19+$0x8400]  }
.LBB2_9:
0x115: {  	p1 =	sne.s32 s9, $0xF000;
	v5 =	vld [tilespmem:s8+$0x8410];
	[tilespmem:s19+$0x14300] =	vst v0  }
0x116: {  	v0 =	vld [tilespmem:s8+$0x8080];
	[tilespmem:s19+$0x14310] =	vst v1  }
0x117: {  	v1 =	vld [tilespmem:s8+$0x8090];
	[tilespmem:s19+$0x14380] =	vst v2  }
0x118: {  	v2 =	vld [tilespmem:s8+$0x8100];
	[tilespmem:s19+$0x14390] =	vst v3  }
0x119: {  	v3 =	vld [tilespmem:s8+$0x8110];
	[tilespmem:s19+$0x14400] =	vst v4;
	s19 =	smov.u32 s8  }
0x11a: {  	v4 =	vld [tilespmem:s19+$0x8180];
	[tilespmem:s19+$0x14410] =	vst v5  }
0x11b: {  	[tilespmem:s19+$0x14080] =	vst v0;
	v0 =	vld [tilespmem:s19+$0x8190]  }
0x11c: {  	[tilespmem:s19+$0x14090] =	vst v1;
	v1 =	vld [tilespmem:s19+$0x8200]  }
0x11d: {  	[tilespmem:s19+$0x14100] =	vst v2;
	v2 =	vld [tilespmem:s19+$0x8210]  }
0x11e: {  	[tilespmem:s19+$0x14110] =	vst v3;
	v3 =	vld [tilespmem:s19+$0x8280]  }
0x11f: {  	[tilespmem:s19+$0x14180] =	vst v4;
	v4 =	vld [tilespmem:s19+$0x8290]  }
.Ltmp3:
0x120: {  	[tilespmem:s19+$0x14190] =	vst v0;
	v0 =	vld [tilespmem:s19+$0x8300];
	(pc) =	sbr.rel @p1 .LBB2_9-.Ltmp3, $4  }
0x121: {  	[tilespmem:s19+$0x14200] =	vst v1;
	v1 =	vld [tilespmem:s19+$0x8310]  }
0x122: {  	[tilespmem:s19+$0x14210] =	vst v2;
	v2 =	vld [tilespmem:s19+$0x8380]  }
0x123: {  	[tilespmem:s19+$0x14280] =	vst v3;
	v3 =	vld [tilespmem:s19+$0x8390]  }
0x124: {  	s8 =	sshra.s32 s9, $0x2;
	s9 =	sadd.s32 $0x1000, s9;
	[tilespmem:s19+$0x14290] =	vst v4;
	v4 =	vld [tilespmem:s19+$0x8400]  }
0x125: {  	v5 =	vld [tilespmem:s8+$0x8410];
	[tilespmem:s19+$0x14300] =	vst v0  }
0x126: {  	v0 =	vld [tilespmem:s8+$0x8080];
	[tilespmem:s19+$0x14310] =	vst v1  }
0x127: {  	v1 =	vld [tilespmem:s8+$0x8090];
	[tilespmem:s19+$0x14380] =	vst v2  }
0x128: {  	v2 =	vld [tilespmem:s8+$0x8100];
	[tilespmem:s19+$0x14390] =	vst v3  }
0x129: {  	v3 =	vld [tilespmem:s8+$0x8110];
	[tilespmem:s19+$0x14400] =	vst v4  }
0x12a: {  	v4 =	vld [tilespmem:s8+$0x8180];
	[tilespmem:s8+$0x14410] =	vst v5  }
0x12b: {  	v54 =	vld [tilespmem:s8+$0x8190];
	[tilespmem:s8+$0x14080] =	vst v0  }
0x12c: {  	v55 =	vld [tilespmem:s8+$0x8200];
	[tilespmem:s8+$0x14090] =	vst v1  }
0x12d: {  	v56 =	vld [tilespmem:s8+$0x8210];
	[tilespmem:s8+$0x14100] =	vst v2  }
0x12e: {  	v57 =	vld [tilespmem:s8+$0x8280];
	[tilespmem:s8+$0x14110] =	vst v3  }
0x12f: {  	v58 =	vld [tilespmem:s8+$0x8290];
	[tilespmem:s8+$0x14180] =	vst v4  }
0x130: {  	v59 =	vld [tilespmem:s8+$0x8300];
	[tilespmem:s8+$0x14190] =	vst v54  }
0x131: {  	v60 =	vld [tilespmem:s8+$0x8310];
	[tilespmem:s8+$0x14200] =	vst v55  }
0x132: {  	v61 =	vld [tilespmem:s8+$0x8380];
	[tilespmem:s8+$0x14210] =	vst v56  }
0x133: {  	v62 =	vld [tilespmem:s8+$0x8390];
	[tilespmem:s8+$0x14280] =	vst v57  }
0x134: {  	v63 =	vld [tilespmem:s8+$0x8400];
	[tilespmem:s8+$0x14290] =	vst v58  }
0x135: {  	[tilespmem:s8+$0x14300] =	vst v59  }
.Ltmp4:
0x136: {  	[tilespmem:s8+$0x14310] =	vst v60;
	(pc) =	sbr.rel @p0 .LBB2_12-.Ltmp4, $4  }
0x137: {  	s1 =	sadd.s32 s1, s13;
	[tilespmem:s8+$0x14380] =	vst v61  }
0x138: {  	s1 =	sshll.u32 s1, $0x4;
	[tilespmem:s8+$0x14390] =	vst v62  }
0x139: {  	s1 =	sadd.s32 s6, s1;
	[tilespmem:s8+$0x14400] =	vst v63  }
0x13a: {  	[hbm4b:s1+s3] =	stream.linear.scatter [tilespmem:s26], [sflag:$0x6], $0x4000, $0x38;
	[tilespmem:$0x18080] =	vst v63  }
.Ltmp5:
0x13b: {  	(pc) =	sbr.rel .LBB2_4-.Ltmp5, $4  }
0x13c: {  	s1 =	sadd.s32 s14, s2  }
0x13d: {  	s1 =	sshrl.u32 s1, $0x3  }
0x13e: {  	s0 =	sadd.s32 $0x1, s0;
	s1 =	sadd.s32 s4, s1  }
0x13f: {  	[tilespmem:s20], [sflag:$0x3] =	stream.linear.gather [hbm4b:s1+s3], $0x4000, $0x38;
	[tilespmem:$0x18080] =	vst v63  }
.LBB2_12:
0x140: {  	_ =	swait.ge [sflag:s28], $0x4000  }
0x141: {  	[sflag:s28] =	ssyncset.done $0x0  }
0x142: {  	[sflag:s28] =	ssyncadd.s32 $0xFFFFC000  }
0x143: {  	_ =	swait.ge [sflag:s21], $0x4000  }
0x144: {  	[sflag:s21] =	ssyncset.done $0x0  }
0x145: {  	s0 =	simm.s32 $0x0;
	[sflag:s21] =	ssyncadd.s32 $0xFFFFC000  }
0x146: {  	v0 =	vld [tilespmem:s0+$0x410]  }
0x147: {  	v1 =	vld [tilespmem:s0+$0x80]  }
0x148: {  	v2 =	vld [tilespmem:s0+$0x90]  }
0x149: {  	v3 =	vld [tilespmem:s0+$0x100]  }
0x14a: {  	v4 =	vld [tilespmem:s0+$0x110]  }
0x14b: {  	v5 =	vld [tilespmem:s0+$0x180];
	[tilespmem:s0+$0xC410] =	vst v0  }
0x14c: {  	[tilespmem:s0+$0xC080] =	vst v1;
	v0 =	vld [tilespmem:s0+$0x190]  }
0x14d: {  	[tilespmem:s0+$0xC090] =	vst v2;
	v1 =	vld [tilespmem:s0+$0x200]  }
0x14e: {  	[tilespmem:s0+$0xC100] =	vst v3;
	v2 =	vld [tilespmem:s0+$0x210]  }
0x14f: {  	[tilespmem:s0+$0xC110] =	vst v4;
	v3 =	vld [tilespmem:s0+$0x280]  }
0x150: {  	[tilespmem:s0+$0xC180] =	vst v5;
	v4 =	vld [tilespmem:s0+$0x290]  }
0x151: {  	[tilespmem:s0+$0xC190] =	vst v0;
	v0 =	vld [tilespmem:s0+$0x300]  }
0x152: {  	[tilespmem:s0+$0xC200] =	vst v1;
	v1 =	vld [tilespmem:s0+$0x310]  }
0x153: {  	[tilespmem:s0+$0xC210] =	vst v2;
	v2 =	vld [tilespmem:s0+$0x380]  }
0x154: {  	[tilespmem:s0+$0xC280] =	vst v3;
	v3 =	vld [tilespmem:s0+$0x390]  }
0x155: {  	s1 =	simm.s32 $0x400;
	s2 =	simm.s32 $0x2000;
	[tilespmem:s0+$0xC290] =	vst v4;
	v4 =	vld [tilespmem:s0+$0x400]  }
.LBB2_13:
0x156: {  	p0 =	sne.s32 s2, $0xF000;
	v5 =	vld [tilespmem:s1+$0x410];
	[tilespmem:s0+$0xC300] =	vst v0  }
0x157: {  	v0 =	vld [tilespmem:s1+$0x80];
	[tilespmem:s0+$0xC310] =	vst v1  }
0x158: {  	v1 =	vld [tilespmem:s1+$0x90];
	[tilespmem:s0+$0xC380] =	vst v2  }
0x159: {  	v2 =	vld [tilespmem:s1+$0x100];
	[tilespmem:s0+$0xC390] =	vst v3  }
0x15a: {  	v3 =	vld [tilespmem:s1+$0x110];
	[tilespmem:s0+$0xC400] =	vst v4;
	s0 =	smov.u32 s1  }
0x15b: {  	v4 =	vld [tilespmem:s0+$0x180];
	[tilespmem:s0+$0xC410] =	vst v5  }
0x15c: {  	[tilespmem:s0+$0xC080] =	vst v0;
	v0 =	vld [tilespmem:s0+$0x190]  }
0x15d: {  	[tilespmem:s0+$0xC090] =	vst v1;
	v1 =	vld [tilespmem:s0+$0x200]  }
0x15e: {  	[tilespmem:s0+$0xC100] =	vst v2;
	v2 =	vld [tilespmem:s0+$0x210]  }
0x15f: {  	[tilespmem:s0+$0xC110] =	vst v3;
	v3 =	vld [tilespmem:s0+$0x280]  }
0x160: {  	[tilespmem:s0+$0xC180] =	vst v4;
	v4 =	vld [tilespmem:s0+$0x290]  }
.Ltmp6:
0x161: {  	[tilespmem:s0+$0xC190] =	vst v0;
	v0 =	vld [tilespmem:s0+$0x300];
	(pc) =	sbr.rel @p0 .LBB2_13-.Ltmp6, $4  }
0x162: {  	[tilespmem:s0+$0xC200] =	vst v1;
	v1 =	vld [tilespmem:s0+$0x310]  }
0x163: {  	[tilespmem:s0+$0xC210] =	vst v2;
	v2 =	vld [tilespmem:s0+$0x380]  }
0x164: {  	[tilespmem:s0+$0xC280] =	vst v3;
	v3 =	vld [tilespmem:s0+$0x390]  }
0x165: {  	s1 =	sshra.s32 s2, $0x2;
	s2 =	sadd.s32 $0x1000, s2;
	[tilespmem:s0+$0xC290] =	vst v4;
	v4 =	vld [tilespmem:s0+$0x400]  }
0x166: {  	v5 =	vld [tilespmem:s1+$0x410];
	[tilespmem:s0+$0xC300] =	vst v0  }
0x167: {  	v0 =	vld [tilespmem:s1+$0x80];
	[tilespmem:s0+$0xC310] =	vst v1  }
0x168: {  	v1 =	vld [tilespmem:s1+$0x90];
	[tilespmem:s0+$0xC380] =	vst v2  }
0x169: {  	v2 =	vld [tilespmem:s1+$0x100];
	[tilespmem:s0+$0xC390] =	vst v3  }
0x16a: {  	v3 =	vld [tilespmem:s1+$0x110];
	[tilespmem:s0+$0xC400] =	vst v4  }
0x16b: {  	v4 =	vld [tilespmem:s1+$0x180];
	[tilespmem:s1+$0xC410] =	vst v5  }
0x16c: {  	v54 =	vld [tilespmem:s1+$0x190];
	[tilespmem:s1+$0xC080] =	vst v0  }
0x16d: {  	v55 =	vld [tilespmem:s1+$0x200];
	[tilespmem:s1+$0xC090] =	vst v1  }
0x16e: {  	v56 =	vld [tilespmem:s1+$0x210];
	[tilespmem:s1+$0xC100] =	vst v2  }
0x16f: {  	v57 =	vld [tilespmem:s1+$0x280];
	[tilespmem:s1+$0xC110] =	vst v3  }
0x170: {  	v58 =	vld [tilespmem:s1+$0x290];
	[tilespmem:s1+$0xC180] =	vst v4  }
0x171: {  	v59 =	vld [tilespmem:s1+$0x300];
	[tilespmem:s1+$0xC190] =	vst v54  }
0x172: {  	v60 =	vld [tilespmem:s1+$0x310];
	[tilespmem:s1+$0xC200] =	vst v55  }
0x173: {  	v61 =	vld [tilespmem:s1+$0x380];
	[tilespmem:s1+$0xC210] =	vst v56  }
0x174: {  	v62 =	vld [tilespmem:s1+$0x390];
	[tilespmem:s1+$0xC280] =	vst v57  }
0x175: {  	v63 =	vld [tilespmem:s1+$0x400];
	[tilespmem:s1+$0xC290] =	vst v58  }
0x176: {  	[tilespmem:s1+$0xC300] =	vst v59  }
0x177: {  	[tilespmem:s1+$0xC310] =	vst v60  }
0x178: {  	[tilespmem:s1+$0xC380] =	vst v61  }
0x179: {  	[tilespmem:s1+$0xC390] =	vst v62  }
0x17a: {  	[tilespmem:s1+$0xC400] =	vst v63  }
0x17b: {  	[hbm4b:s15+s3] =	stream.linear.scatter [tilespmem:s22], [sflag:$0x4], $0x4000, $0x38;
	[tilespmem:$0x18080] =	vst v63  }
0x17c: {  	_ =	swait.ge [sflag:s29], $0x4000  }
0x17d: {  	[sflag:s29] =	ssyncset.done $0x0  }
0x17e: {  	s31 =	sadd.s32 $0x1, s31;
	[sflag:s29] =	ssyncadd.s32 $0xFFFFC000  }
0x17f: {  	p0 =	sne.s32 s31, s16;
	_ =	swait.ge [sflag:s30], $0x4000  }
.Ltmp7:
0x180: {  	[sflag:s30] =	ssyncset.done $0x0;
	(pc) =	sbr.rel @p0 .LBB2_1-.Ltmp7, $4  }
0x181: {  	[sflag:s30] =	ssyncadd.s32 $0xFFFFC000  }
0x182: {  	_ =	swait.ge [sflag:s28], $0x4000  }
0x183: {  	[sflag:s28] =	ssyncset.done $0x0  }
0x184: {  	[sflag:s28] =	ssyncadd.s32 $0xFFFFC000  }
0x185: {  	_ =	sfence.sel $0x180000  }
0x186: {  	[bflag:$0x0] =	sbarrier.arrive $0xFFFF  }
0x187: {  	_ =	strace $0x90000047  }
0x188: {  	s0 =	stileid.u32;
	[bflag:$0x2] =	sbarrier.arrive $0xFFFF  }
0x189: {  	p0 =	sne.s32 s0, $0x0;
	s0 =	rddreg [dreg:$0x2]  }
0x18a: {  	s0 =	sadd.s32 @!p0 $0x100000, s0  }
0x18b: {  	[sflag:s0] =	ssyncadd.tile.s32 @!p0 $0x1;
	_ =	shalt  }
.Lfunc_end2:
_tile_overlayer_lowered:
.L_overlay_start_2:
0x18c: {  	(tag) =	ssettag $0x2  }
0x18d: {  	s0 =	rddreg [dreg:$0x0];
	s2 =	stileid.u32  }
0x18e: {  	s1 =	rddreg [dreg:$0x1];
	p0 =	sne.s32 s2, $0x0  }
0x18f: {  	s3 =	rddreg [dreg:$0x2];
	[bflag:$0x3] =	sbarrier.arrive $0xFFFF;
	s2 =	simm.s32 @!p0 $0x1C07  }
0x190: {  	[timem:s3], [sflag:s2] =	dma.local @!p0 [hbm:s0], s1  }
0x191: {  	s0 =	simm.s32 @!p0 $0x7  }
0x192: {  	_ =	swait.ge @!p0 [sflag:s0], s1  }
0x193: {  	s1 =	ssub.s32 @!p0 $0x0, s1;
	[sflag:s0] =	ssyncset.done @!p0 $0x0  }
0x194: {  	[sflag:s0] =	ssyncadd.s32 @!p0 s1  }
0x195: {  	[bflag:$0x3] =	sbarrier.arrive $0xFFFF  }
0x196: {  	_ =	shalt  }

</sc_bundles>
